<compile_context>
chip_gen: v7x
topology: tpu7x:2x2x1
jax: 0.10.2.dev20260603
libtpu: 0.0.44.dev20260713+nightly
codegen_flags: <defaults>
</compile_context>

<pallas_src>
import functools

import jax
import jax.numpy as jnp
from jax import lax
from jax.experimental import pallas as pl
from jax.experimental.pallas import tpu as pltpu
from jax.experimental.pallas import tpu_sc as plsc

_K = 1024
_NROWS = 128
_NCOLS = 32768
_NCHUNK = _NCOLS // 16
_NBINS = 32768
_NCAND = 32768
_ROWS_PER_WORKER = _NROWS // 32


def _sc_body(x_hbm, out_hbm, x_v, hist_v, cand_v):
    sign = jnp.int32(-2**31)
    inv = jnp.int32(0x7FFFFFFF)
    lanes = lax.iota(jnp.int32, 16)
    ones = jnp.ones((16,), jnp.int32)
    wid = lax.axis_index("s") * 2 + lax.axis_index("c")

    @plsc.parallel_loop(0, _NBINS // 16, unroll=8)
    def zero_loop(i):
        hist_v[pl.ds(i * 16, 16)] = jnp.zeros((16,), jnp.int32)

    def do_row(r, _):
        row = wid * _ROWS_PER_WORKER + r
        pltpu.sync_copy(x_hbm.at[row], x_v)

        @plsc.parallel_loop(0, _NCHUNK, unroll=8,
                            carry=jnp.full((16,), -2**31, jnp.int32))
        def hist_loop(i, mx):
            bits = plsc.bitcast(x_v[pl.ds(i * 16, 16)], jnp.int32)
            xk = jnp.where(bits < 0, bits ^ inv, bits)
            bins = lax.shift_right_logical(xk ^ sign, 17)
            plsc.addupdate_scatter(hist_v, (bins,), ones)
            return jnp.maximum(mx, xk)

        mx = jnp.max(hist_loop)
        vj0 = lax.shift_right_logical(mx ^ sign, 17) // 16

        def scan_cond(c):
            return (c[3] == 0) & (c[1] >= 0)

        def scan_body(c):
            rs, vj, b, _ = c
            v = hist_v[pl.ds(vj * 16, 16)]
            rev = lax.rev(v, (0,))
            cs = jnp.cumsum(rev)
            crossed = (rs + cs) >= _K
            anyc = jnp.max(crossed.astype(jnp.int32))
            istar = jnp.max(plsc.all_reduce_ffs(crossed))
            before = jnp.sum(jnp.where(lanes < istar, rev, 0))
            b_new = vj * 16 + 15 - istar
            rs_new = jnp.where(anyc == 1, rs + before, rs + cs[15])
            return (rs_new, vj - 1,
                    jnp.where(anyc == 1, b_new, b), anyc)

        cnt_above, _, b_star, _ = lax.while_loop(
            scan_cond, scan_body,
            (jnp.int32(0), vj0, jnp.int32(0), jnp.int32(0)))
        rprime = _K - cnt_above

        @plsc.parallel_loop(0, _NCHUNK, unroll=8, carry=jnp.int32(0))
        def col_loop(i, off):
            bits = plsc.bitcast(x_v[pl.ds(i * 16, 16)], jnp.int32)
            xk = jnp.where(bits < 0, bits ^ inv, bits)
            bins = lax.shift_right_logical(xk ^ sign, 17)
            m = bins == b_star
            mi = m.astype(jnp.int32)
            pos = off + jnp.cumsum(mi) - 1
            plsc.store_scatter(cand_v, (pos,), xk, mask=m)
            return off + jnp.sum(mi)

        m_count = col_loop
        nv = (m_count + 15) >> 4

        def bit_body(bi, p):
            t = p | lax.shift_left(jnp.int32(1), 16 - bi)
            txi = (lax.shift_left(b_star, 17) | t) ^ sign

            def cnt_body(vj, acc):
                cv = cand_v[pl.ds(vj * 16, 16)]
                inb = (vj * 16 + lanes) < m_count
                return acc + jnp.where(inb & (cv >= txi), 1, 0)

            accv = lax.fori_loop(0, nv, cnt_body, jnp.zeros((16,), jnp.int32))
            return jnp.where(jnp.sum(accv) >= rprime, t, p)

        p_low = lax.fori_loop(0, 17, bit_body, jnp.int32(0))
        tx = (lax.shift_left(b_star, 17) | p_low) ^ sign

        @plsc.parallel_loop(0, _NCHUNK, unroll=8)
        def mask_loop(i):
            bits = plsc.bitcast(x_v[pl.ds(i * 16, 16)], jnp.int32)
            xk = jnp.where(bits < 0, bits ^ inv, bits)
            x_v[pl.ds(i * 16, 16)] = jnp.where(xk >= tx,
                                               jnp.float32(1.0),
                                               jnp.float32(0.0))
            hist_v[pl.ds(i * 16, 16)] = jnp.zeros((16,), jnp.int32)

        pltpu.sync_copy(x_v, out_hbm.at[row])
        return _

    lax.fori_loop(0, _ROWS_PER_WORKER, do_row, jnp.int32(0))


@jax.jit
def kernel(output_a):
    mesh = plsc.VectorSubcoreMesh(core_axis_name="c", subcore_axis_name="s",
                                  num_cores=2, num_subcores=16)
    fn = functools.partial(
        pl.kernel,
        out_type=jax.ShapeDtypeStruct((_NROWS, _NCOLS), jnp.float32),
        mesh=mesh,
        compiler_params=pltpu.CompilerParams(needs_layout_passes=False),
        scratch_types=[
            pltpu.VMEM((_NCOLS,), jnp.float32),
            pltpu.VMEM((_NBINS,), jnp.int32),
            pltpu.VMEM((_NCAND,), jnp.int32),
        ],
    )(_sc_body)
    return fn(output_a)

# --- scband reference (transcript-rebuilt; emitter-appended) ---
"""Pipeline reference for scband-filter-out-mask-2972117369129 (READ-ONLY COPY).

The authoritative reference and input builder live on the scoring server;
editing this copy changes nothing except your own understanding.
"""

import jax, jax.numpy as jnp
import numpy as np

K = 1024

def setup_inputs(seed: int = 0) -> dict:
    key = jax.random.key(seed)
    output_a = jax.random.normal(key, (128, 32768), dtype=jnp.float32)
    return {"output_a": output_a}

def reference(output_a):
    # output_flat = torch.flatten(output_a, start_dim=1)
    output_flat = output_a.reshape(output_a.shape[0], -1)
    # top_k, top_k_indices = torch.topk(output_flat, k, 1)
    top_k_vals, top_k_indices = jax.lax.top_k(output_flat, K)
    # mask = zeros, scatter ones at top-k indices along dim 1
    mask = jnp.zeros(output_flat.shape, dtype=output_a.dtype)
    row_idx = jnp.arange(output_flat.shape[0])[:, None]
    mask = mask.at[row_idx, top_k_indices].set(jnp.ones(top_k_indices.shape, dtype=output_a.dtype))
    return mask

if __name__ == "__main__":
    import jax
    _d = setup_inputs()
    print(jax.jit(kernel)(*tuple(_d.values())))

</pallas_src>

<mosaic_0001>
#map = affine_map<(d0, d1) -> (0, 0)>
module attributes {stable_mosaic.version = 14 : i64} {
  func.func @_sc_body(%arg0: i32, %arg1: i32, %arg2: memref<128x32768xf32, #tpu.memory_space<hbm>>, %arg3: memref<128x32768xf32, #tpu.memory_space<hbm>>, %arg4: memref<32768xf32, #tpu.memory_space<vmem>>, %arg5: memref<32768xi32, #tpu.memory_space<vmem>>, %arg6: memref<32768xi32, #tpu.memory_space<vmem>>) attributes {dimension_semantics = [#tpu.dimension_semantics<core_parallel>, #tpu.dimension_semantics<subcore_parallel>], iteration_bounds = array<i64: 2, 16>, scalar_prefetch = 0 : i64, scratch_operands = 3 : i64, tpu.core_type = #tpu.core_type<sc_vector_subcore>, window_params = [{transform_indices = #map}, {transform_indices = #map}]} {
    %iota3A = tpu.iota {dimensions = array<i32: 0>} : vector<16xi32>
    %broadcast_in_dim3A = arith.constant 1 : i32
    %broadcast_in_dim3A_0 = vector.broadcast %broadcast_in_dim3A : i32 to vector<16xi32>
    %mul3A = arith.constant 2 : i32
    %mul3A_1 = arith.muli %arg1, %mul3A : i32
    %add3A = arith.addi %mul3A_1, %arg0 : i32
    %parallel_loop3A = arith.constant 0 : i32
    %parallel_loop3A_2 = arith.constant 2048 : i32
    %parallel_loop3A_3 = arith.constant 1 : i32
    scf.for %parallel_loop3A_12 = %parallel_loop3A to %parallel_loop3A_2 step %parallel_loop3A_3  : i32 {
      %parallel_loop3A_13 = arith.constant 0 : i32
      %parallel_loop3A_14 = vector.broadcast %parallel_loop3A_13 : i32 to vector<16xi32>
      %parallel_loop3A_15 = arith.constant 16 : i32
      %parallel_loop3A_16 = arith.muli %parallel_loop3A_12, %parallel_loop3A_15 : i32
      %parallel_loop3A_17 = arith.index_cast %parallel_loop3A_16 : i32 to index
      %parallel_loop3A_18 = tpu.vector_load %arg5[%parallel_loop3A_17] {strides = array<i32>} : memref<32768xi32, #tpu.memory_space<vmem>>, vector<16xi32>,
      tpu.vector_store %arg5[%parallel_loop3A_17], %parallel_loop3A_14 {strides = array<i32>} : memref<32768xi32, #tpu.memory_space<vmem>>, vector<16xi32>,
    } {sc.loop_unroll_factor = 8 : i64, sc.parallel_access}
    %scan3A = arith.constant 2147483647 : i32
    %scan3A_4 = arith.constant -2147483648 : i32
    %scan3A_5 = arith.constant 0 : i32
    %scan3A_6 = arith.constant 0 : i32
    %scan3A_7 = arith.constant 4 : i32
    %scan3A_8 = arith.addi %scan3A_6, %scan3A_7 : i32
    %scan3A_9 = arith.constant 1 : i32
    %scan3A_10 = scf.for %scan3A_12 = %scan3A_6 to %scan3A_8 step %scan3A_9 iter_args(%scan3A_13 = %scan3A_5) -> (i32)  : i32 {
      %mul3A_14 = arith.constant 4 : i32
      %mul3A_15 = arith.muli %add3A, %mul3A_14 : i32
      %add3A_16 = arith.addi %mul3A_15, %scan3A_12 : i32
      "tpu.region"() ({
        %run_scoped3A = tpu.sem_alloc : memref<!tpu.dma_semaphore, #tpu.memory_space<semaphore_mem>>
        %dma_start3A = arith.constant 0 : i32
        %dma_start3A_72 = tpu.memref_slice %arg2[%add3A_16, %dma_start3A] : memref<128x32768xf32, #tpu.memory_space<hbm>> -> memref<1x32768xf32, #tpu.memory_space<hbm>>
        %dma_start3A_73 = tpu.memref_squeeze %dma_start3A_72 : memref<1x32768xf32, #tpu.memory_space<hbm>> -> memref<32768xf32, #tpu.memory_space<hbm>>
        %dma_start3A_74 = arith.constant 0 : i32
        %dma_start3A_75 = tpu.memref_slice %arg2[%add3A_16, %dma_start3A_74] : memref<128x32768xf32, #tpu.memory_space<hbm>> -> memref<1x32768xf32, #tpu.memory_space<hbm>>
        %dma_start3A_76 = tpu.memref_squeeze %dma_start3A_75 : memref<1x32768xf32, #tpu.memory_space<hbm>> -> memref<32768xf32, #tpu.memory_space<hbm>>
        tpu.enqueue_dma source(%dma_start3A_76 : memref<32768xf32, #tpu.memory_space<hbm>>) target(%arg4 : memref<32768xf32, #tpu.memory_space<vmem>>) target_semaphore(%run_scoped3A : memref<!tpu.dma_semaphore, #tpu.memory_space<semaphore_mem>>)
        %dma_wait3A = arith.constant 0 : i32
        %dma_wait3A_77 = tpu.memref_slice %arg2[%add3A_16, %dma_wait3A] : memref<128x32768xf32, #tpu.memory_space<hbm>> -> memref<1x32768xf32, #tpu.memory_space<hbm>>
        %dma_wait3A_78 = tpu.memref_squeeze %dma_wait3A_77 : memref<1x32768xf32, #tpu.memory_space<hbm>> -> memref<32768xf32, #tpu.memory_space<hbm>>
        %dma_wait3A_79 = arith.constant 0 : i32
        %dma_wait3A_80 = tpu.memref_slice %arg2[%add3A_16, %dma_wait3A_79] : memref<128x32768xf32, #tpu.memory_space<hbm>> -> memref<1x32768xf32, #tpu.memory_space<hbm>>
        %dma_wait3A_81 = tpu.memref_squeeze %dma_wait3A_80 : memref<1x32768xf32, #tpu.memory_space<hbm>> -> memref<32768xf32, #tpu.memory_space<hbm>>
        tpu.wait_dma2 semaphore(%run_scoped3A : memref<!tpu.dma_semaphore, #tpu.memory_space<semaphore_mem>>) src(%dma_wait3A_81 : memref<32768xf32, #tpu.memory_space<hbm>>) dst(%arg4 : memref<32768xf32, #tpu.memory_space<vmem>>)
        tpu.yield
      }) : () -> ()
      %broadcast_in_dim3A_17 = arith.constant -2147483648 : i32
      %broadcast_in_dim3A_18 = vector.broadcast %broadcast_in_dim3A_17 : i32 to vector<16xi32>
      %parallel_loop3A_19 = arith.constant 0 : i32
      %parallel_loop3A_20 = arith.constant 2048 : i32
      %parallel_loop3A_21 = arith.constant 1 : i32
      %parallel_loop3A_22 = scf.for %parallel_loop3A_72 = %parallel_loop3A_19 to %parallel_loop3A_20 step %parallel_loop3A_21 iter_args(%parallel_loop3A_73 = %broadcast_in_dim3A_18) -> (vector<16xi32>)  : i32 {
        %parallel_loop3A_74 = arith.constant 16 : i32
        %parallel_loop3A_75 = arith.muli %parallel_loop3A_72, %parallel_loop3A_74 : i32
        %parallel_loop3A_76 = arith.index_cast %parallel_loop3A_75 : i32 to index
        %parallel_loop3A_77 = tpu.vector_load %arg4[%parallel_loop3A_76] {strides = array<i32>} : memref<32768xf32, #tpu.memory_space<vmem>>, vector<16xf32>,
        %parallel_loop3A_78 = vector.bitcast %parallel_loop3A_77 : vector<16xf32> to vector<16xi32>
        %parallel_loop3A_79 = arith.constant 0 : i32
        %parallel_loop3A_80 = vector.broadcast %parallel_loop3A_79 : i32 to vector<16xi32>
        %parallel_loop3A_81 = arith.cmpi slt, %parallel_loop3A_78, %parallel_loop3A_80 : vector<16xi32>
        %parallel_loop3A_82 = vector.broadcast %scan3A : i32 to vector<16xi32>
        %parallel_loop3A_83 = arith.xori %parallel_loop3A_78, %parallel_loop3A_82 : vector<16xi32>
        %parallel_loop3A_84 = arith.select %parallel_loop3A_81, %parallel_loop3A_83, %parallel_loop3A_78 : vector<16xi1>, vector<16xi32>
        %parallel_loop3A_85 = vector.broadcast %scan3A_4 : i32 to vector<16xi32>
        %parallel_loop3A_86 = arith.xori %parallel_loop3A_84, %parallel_loop3A_85 : vector<16xi32>
        %parallel_loop3A_87 = arith.constant 17 : i32
        %parallel_loop3A_88 = vector.broadcast %parallel_loop3A_87 : i32 to vector<16xi32>
        %parallel_loop3A_89 = arith.shrui %parallel_loop3A_86, %parallel_loop3A_88 : vector<16xi32>
        tpu.vector_store_idx %arg5[%parallel_loop3A_89], %broadcast_in_dim3A_0 {add = true} : memref<32768xi32, #tpu.memory_space<vmem>>[vector<16xi32>], vector<16xi32>,
        %parallel_loop3A_90 = arith.maxsi %parallel_loop3A_73, %parallel_loop3A_84 : vector<16xi32>
        scf.yield %parallel_loop3A_90 : vector<16xi32>
      } {sc.loop_unroll_factor = 8 : i64, sc.parallel_access}
      %reduce_max3A = arith.constant true
      %reduce_max3A_23 = vector.broadcast %reduce_max3A : i1 to vector<16xi1>
      %reduce_max3A_24 = arith.constant -2147483648 : i32
      %reduce_max3A_25 = vector.broadcast %reduce_max3A_24 : i32 to vector<16xi32>
      %reduce_max3A_26 = arith.xori %parallel_loop3A_22, %reduce_max3A_25 : vector<16xi32>
      %reduce_max3A_27 = tpu.scan <max>, %reduce_max3A_26 masked %reduce_max3A_23 : vector<16xi32>, vector<16xi1> -> vector<16xi32>
      %reduce_max3A_28 = arith.xori %reduce_max3A_27, %reduce_max3A_25 : vector<16xi32>
      %reduce_max3A_29 = vector.extract %reduce_max3A_28[15] : i32 from vector<16xi32>
      %xor3A = arith.xori %reduce_max3A_29, %scan3A_4 : i32
      %shift_right_logical3A = arith.constant 17 : i32
      %shift_right_logical3A_30 = arith.shrui %xor3A, %shift_right_logical3A : i32
      %jit3A = arith.constant 16 : i32
      %div3A = arith.divsi %shift_right_logical3A_30, %jit3A : i32
      %sign3A = arith.constant 0 : i32
      %sign3A_31 = arith.cmpi sgt, %shift_right_logical3A_30, %sign3A : i32
      %sign3A_32 = arith.extui %sign3A_31 : i1 to i32
      %sign3A_33 = arith.constant 0 : i32
      %sign3A_34 = arith.cmpi slt, %shift_right_logical3A_30, %sign3A_33 : i32
      %sign3A_35 = arith.extui %sign3A_34 : i1 to i32
      %sign3A_36 = arith.subi %sign3A_32, %sign3A_35 : i32
      %sign3A_37 = arith.constant 0 : i32
      %sign3A_38 = arith.cmpi sgt, %jit3A, %sign3A_37 : i32
      %sign3A_39 = arith.extui %sign3A_38 : i1 to i32
      %sign3A_40 = arith.constant 0 : i32
      %sign3A_41 = arith.cmpi slt, %jit3A, %sign3A_40 : i32
      %sign3A_42 = arith.extui %sign3A_41 : i1 to i32
      %sign3A_43 = arith.subi %sign3A_39, %sign3A_42 : i32
      %ne3A = arith.cmpi ne, %sign3A_36, %sign3A_43 : i32
      %rem3A = arith.remsi %shift_right_logical3A_30, %jit3A : i32
      %ne3A_44 = arith.constant 0 : i32
      %ne3A_45 = arith.cmpi ne, %rem3A, %ne3A_44 : i32
      %and3A = arith.andi %ne3A, %ne3A_45 : i1
      %sub3A = arith.constant 1 : i32
      %sub3A_46 = arith.subi %div3A, %sub3A : i32
      %select_n3A = arith.select %and3A, %sub3A_46, %div3A : i32
      %while3A = arith.constant 0 : i32
      %while3A_47 = arith.constant 0 : i32
      %while3A_48 = arith.constant 0 : i32
      %while3A_49:4 = scf.while (%while3A_72 = %while3A, %while3A_73 = %select_n3A, %while3A_74 = %while3A_47, %while3A_75 = %while3A_48) : (i32, i32, i32, i32) -> (i32, i32, i32, i32) {
        %eq3A = arith.constant 0 : i32
        %eq3A_76 = arith.cmpi eq, %while3A_75, %eq3A : i32
        %ge3A = arith.constant 0 : i32
        %ge3A_77 = arith.cmpi sge, %while3A_73, %ge3A : i32
        %and3A_78 = arith.andi %eq3A_76, %ge3A_77 : i1
        scf.condition(%and3A_78) %while3A_72, %while3A_73, %while3A_74, %while3A_75 : i32, i32, i32, i32
      } do {
      ^bb0(%while3A_72: i32, %while3A_73: i32, %while3A_74: i32, %while3A_75: i32):
        %mul3A_76 = arith.constant 16 : i32
        %mul3A_77 = arith.muli %while3A_73, %mul3A_76 : i32
        %get3A = arith.index_cast %mul3A_77 : i32 to index
        %get3A_78 = tpu.vector_load %arg5[%get3A] {strides = array<i32>} : memref<32768xi32, #tpu.memory_space<vmem>>, vector<16xi32>,
        %rev3A = arith.constant 15 : i32
        %rev3A_79 = vector.broadcast %rev3A : i32 to vector<16xi32>
        %rev3A_80 = tpu.iota {dimensions = array<i32: 0>} : vector<16xi32>
        %rev3A_81 = arith.subi %rev3A_79, %rev3A_80 : vector<16xi32>
        %rev3A_82 = tpu.dynamic_gather %get3A_78[%rev3A_81] in [0] : vector<16xi32>, vector<16xi32> -> vector<16xi32>
        %cumsum3A = arith.constant true
        %cumsum3A_83 = vector.broadcast %cumsum3A : i1 to vector<16xi1>
        %cumsum3A_84 = tpu.scan <sum>, %rev3A_82 masked %cumsum3A_83 : vector<16xi32>, vector<16xi1> -> vector<16xi32>
        %add3A_85 = vector.broadcast %while3A_72 : i32 to vector<16xi32>
        %add3A_86 = arith.addi %add3A_85, %cumsum3A_84 : vector<16xi32>
        %ge3A = arith.constant 1024 : i32
        %ge3A_87 = vector.broadcast %ge3A : i32 to vector<16xi32>
        %ge3A_88 = arith.cmpi sge, %add3A_86, %ge3A_87 : vector<16xi32>
        %convert_element_type3A = arith.extui %ge3A_88 : vector<16xi1> to vector<16xi32>
        %reduce_max3A_89 = arith.constant true
        %reduce_max3A_90 = vector.broadcast %reduce_max3A_89 : i1 to vector<16xi1>
        %reduce_max3A_91 = arith.constant -2147483648 : i32
        %reduce_max3A_92 = vector.broadcast %reduce_max3A_91 : i32 to vector<16xi32>
        %reduce_max3A_93 = arith.xori %convert_element_type3A, %reduce_max3A_92 : vector<16xi32>
        %reduce_max3A_94 = tpu.scan <max>, %reduce_max3A_93 masked %reduce_max3A_90 : vector<16xi32>, vector<16xi1> -> vector<16xi32>
        %reduce_max3A_95 = arith.xori %reduce_max3A_94, %reduce_max3A_92 : vector<16xi32>
        %reduce_max3A_96 = vector.extract %reduce_max3A_95[15] : i32 from vector<16xi32>
        %all_reduce_ffs3A = tpu.all_reduce %ge3A_88 {dim = 0 : i64, kind = #tpu.reduction_kind<find_first_set>} : vector<16xi1> -> vector<16xi32>
        %reduce_max3A_97 = arith.constant true
        %reduce_max3A_98 = vector.broadcast %reduce_max3A_97 : i1 to vector<16xi1>
        %reduce_max3A_99 = arith.constant -2147483648 : i32
        %reduce_max3A_100 = vector.broadcast %reduce_max3A_99 : i32 to vector<16xi32>
        %reduce_max3A_101 = arith.xori %all_reduce_ffs3A, %reduce_max3A_100 : vector<16xi32>
        %reduce_max3A_102 = tpu.scan <max>, %reduce_max3A_101 masked %reduce_max3A_98 : vector<16xi32>, vector<16xi1> -> vector<16xi32>
        %reduce_max3A_103 = arith.xori %reduce_max3A_102, %reduce_max3A_100 : vector<16xi32>
        %reduce_max3A_104 = vector.extract %reduce_max3A_103[15] : i32 from vector<16xi32>
        %lt3A = vector.broadcast %reduce_max3A_104 : i32 to vector<16xi32>
        %lt3A_105 = arith.cmpi slt, %iota3A, %lt3A : vector<16xi32>
        %jit3A_106 = arith.constant 0 : i32
        %broadcast_in_dim3A_107 = vector.broadcast %jit3A_106 : i32 to vector<16xi32>
        %select_n3A_108 = arith.select %lt3A_105, %rev3A_82, %broadcast_in_dim3A_107 : vector<16xi1>, vector<16xi32>
        %reduce_sum3A = arith.constant true
        %reduce_sum3A_109 = vector.broadcast %reduce_sum3A : i1 to vector<16xi1>
        %reduce_sum3A_110 = tpu.scan <sum>, %select_n3A_108 masked %reduce_sum3A_109 : vector<16xi32>, vector<16xi1> -> vector<16xi32>
        %reduce_sum3A_111 = vector.extract %reduce_sum3A_110[15] : i32 from vector<16xi32>
        %mul3A_112 = arith.constant 16 : i32
        %mul3A_113 = arith.muli %while3A_73, %mul3A_112 : i32
        %add3A_114 = arith.constant 15 : i32
        %add3A_115 = arith.addi %mul3A_113, %add3A_114 : i32
        %sub3A_116 = arith.subi %add3A_115, %reduce_max3A_104 : i32
        %eq3A = arith.constant 1 : i32
        %eq3A_117 = arith.cmpi eq, %reduce_max3A_96, %eq3A : i32
        %add3A_118 = arith.addi %while3A_72, %reduce_sum3A_111 : i32
        %slice3A = vector.extract_strided_slice %cumsum3A_84 {offsets = [15], sizes = [1], strides = [1]} : vector<16xi32> to vector<1xi32>
        %squeeze3A = vector.extract %slice3A[0] : i32 from vector<1xi32>
        %add3A_119 = arith.addi %while3A_72, %squeeze3A : i32
        %select_n3A_120 = arith.select %eq3A_117, %add3A_118, %add3A_119 : i32
        %sub3A_121 = arith.constant 1 : i32
        %sub3A_122 = arith.subi %while3A_73, %sub3A_121 : i32
        %eq3A_123 = arith.constant 1 : i32
        %eq3A_124 = arith.cmpi eq, %reduce_max3A_96, %eq3A_123 : i32
        %select_n3A_125 = arith.select %eq3A_124, %sub3A_116, %while3A_74 : i32
        scf.yield %select_n3A_120, %sub3A_122, %select_n3A_125, %reduce_max3A_96 : i32, i32, i32, i32
      }
      %sub3A_50 = arith.constant 1024 : i32
      %sub3A_51 = arith.subi %sub3A_50, %while3A_49#0 : i32
      %parallel_loop3A_52 = arith.constant 0 : i32
      %parallel_loop3A_53 = arith.constant 2048 : i32
      %parallel_loop3A_54 = arith.constant 1 : i32
      %parallel_loop3A_55 = arith.constant 0 : i32
      %parallel_loop3A_56 = scf.for %parallel_loop3A_72 = %parallel_loop3A_52 to %parallel_loop3A_53 step %parallel_loop3A_54 iter_args(%parallel_loop3A_73 = %parallel_loop3A_55) -> (i32)  : i32 {
        %parallel_loop3A_74 = arith.constant 16 : i32
        %parallel_loop3A_75 = arith.muli %parallel_loop3A_72, %parallel_loop3A_74 : i32
        %parallel_loop3A_76 = arith.index_cast %parallel_loop3A_75 : i32 to index
        %parallel_loop3A_77 = tpu.vector_load %arg4[%parallel_loop3A_76] {strides = array<i32>} : memref<32768xf32, #tpu.memory_space<vmem>>, vector<16xf32>,
        %parallel_loop3A_78 = vector.bitcast %parallel_loop3A_77 : vector<16xf32> to vector<16xi32>
        %parallel_loop3A_79 = arith.constant 0 : i32
        %parallel_loop3A_80 = vector.broadcast %parallel_loop3A_79 : i32 to vector<16xi32>
        %parallel_loop3A_81 = arith.cmpi slt, %parallel_loop3A_78, %parallel_loop3A_80 : vector<16xi32>
        %parallel_loop3A_82 = vector.broadcast %scan3A : i32 to vector<16xi32>
        %parallel_loop3A_83 = arith.xori %parallel_loop3A_78, %parallel_loop3A_82 : vector<16xi32>
        %parallel_loop3A_84 = arith.select %parallel_loop3A_81, %parallel_loop3A_83, %parallel_loop3A_78 : vector<16xi1>, vector<16xi32>
        %parallel_loop3A_85 = vector.broadcast %scan3A_4 : i32 to vector<16xi32>
        %parallel_loop3A_86 = arith.xori %parallel_loop3A_84, %parallel_loop3A_85 : vector<16xi32>
        %parallel_loop3A_87 = arith.constant 17 : i32
        %parallel_loop3A_88 = vector.broadcast %parallel_loop3A_87 : i32 to vector<16xi32>
        %parallel_loop3A_89 = arith.shrui %parallel_loop3A_86, %parallel_loop3A_88 : vector<16xi32>
        %parallel_loop3A_90 = vector.broadcast %while3A_49#2 : i32 to vector<16xi32>
        %parallel_loop3A_91 = arith.cmpi eq, %parallel_loop3A_89, %parallel_loop3A_90 : vector<16xi32>
        %parallel_loop3A_92 = arith.extui %parallel_loop3A_91 : vector<16xi1> to vector<16xi32>
        %parallel_loop3A_93 = arith.constant true
        %parallel_loop3A_94 = vector.broadcast %parallel_loop3A_93 : i1 to vector<16xi1>
        %parallel_loop3A_95 = tpu.scan <sum>, %parallel_loop3A_92 masked %parallel_loop3A_94 : vector<16xi32>, vector<16xi1> -> vector<16xi32>
        %parallel_loop3A_96 = vector.broadcast %parallel_loop3A_73 : i32 to vector<16xi32>
        %parallel_loop3A_97 = arith.addi %parallel_loop3A_96, %parallel_loop3A_95 : vector<16xi32>
        %parallel_loop3A_98 = arith.constant 1 : i32
        %parallel_loop3A_99 = vector.broadcast %parallel_loop3A_98 : i32 to vector<16xi32>
        %parallel_loop3A_100 = arith.subi %parallel_loop3A_97, %parallel_loop3A_99 : vector<16xi32>
        tpu.vector_store_idx %arg6[%parallel_loop3A_100], %parallel_loop3A_84 masked %parallel_loop3A_91 : memref<32768xi32, #tpu.memory_space<vmem>>[vector<16xi32>], vector<16xi32>, vector<16xi1>
        %parallel_loop3A_101 = arith.constant true
        %parallel_loop3A_102 = vector.broadcast %parallel_loop3A_101 : i1 to vector<16xi1>
        %parallel_loop3A_103 = tpu.scan <sum>, %parallel_loop3A_92 masked %parallel_loop3A_102 : vector<16xi32>, vector<16xi1> -> vector<16xi32>
        %parallel_loop3A_104 = vector.extract %parallel_loop3A_103[15] : i32 from vector<16xi32>
        %parallel_loop3A_105 = arith.addi %parallel_loop3A_73, %parallel_loop3A_104 : i32
        scf.yield %parallel_loop3A_105 : i32
      } {sc.loop_unroll_factor = 8 : i64, sc.parallel_access}
      %add3A_57 = arith.constant 15 : i32
      %add3A_58 = arith.addi %parallel_loop3A_56, %add3A_57 : i32
      %shift_right_arithmetic3A = arith.constant 4 : i32
      %shift_right_arithmetic3A_59 = arith.shrsi %add3A_58, %shift_right_arithmetic3A : i32
      %scan3A_60 = arith.constant 0 : i32
      %scan3A_61 = arith.constant 0 : i32
      %scan3A_62 = arith.constant 17 : i32
      %scan3A_63 = arith.addi %scan3A_61, %scan3A_62 : i32
      %scan3A_64 = arith.constant 1 : i32
      %scan3A_65 = scf.for %scan3A_72 = %scan3A_61 to %scan3A_63 step %scan3A_64 iter_args(%scan3A_73 = %scan3A_60) -> (i32)  : i32 {
        %sub3A_74 = arith.constant 16 : i32
        %sub3A_75 = arith.subi %sub3A_74, %scan3A_72 : i32
        %shift_left3A_76 = arith.constant 1 : i32
        %shift_left3A_77 = arith.shli %shift_left3A_76, %sub3A_75 : i32
        %or3A_78 = arith.ori %scan3A_73, %shift_left3A_77 : i32
        %shift_left3A_79 = arith.constant 17 : i32
        %shift_left3A_80 = arith.shli %while3A_49#2, %shift_left3A_79 : i32
        %or3A_81 = arith.ori %shift_left3A_80, %or3A_78 : i32
        %xor3A_82 = arith.xori %or3A_81, %scan3A_4 : i32
        %broadcast_in_dim3A_83 = arith.constant 0 : i32
        %broadcast_in_dim3A_84 = vector.broadcast %broadcast_in_dim3A_83 : i32 to vector<16xi32>
        %while3A_85 = arith.constant 0 : i32
        %while3A_86 = arith.subi %shift_right_arithmetic3A_59, %while3A_85 : i32
        %while3A_87 = arith.addi %while3A_85, %while3A_86 : i32
        %while3A_88 = arith.constant 1 : i32
        %while3A_89 = arith.divsi %while3A_86, %while3A_88 : i32
        %while3A_90 = arith.muli %while3A_89, %while3A_88 : i32
        %while3A_91 = arith.addi %while3A_85, %while3A_90 : i32
        %while3A_92 = arith.constant 1 : i32
        %while3A_93 = scf.for %while3A_100 = %while3A_85 to %while3A_91 step %while3A_92 iter_args(%while3A_101 = %broadcast_in_dim3A_84) -> (vector<16xi32>)  : i32 {
          %mul3A_102 = arith.constant 16 : i32
          %mul3A_103 = arith.muli %while3A_100, %mul3A_102 : i32
          %get3A = arith.index_cast %mul3A_103 : i32 to index
          %get3A_104 = tpu.vector_load %arg6[%get3A] {strides = array<i32>} : memref<32768xi32, #tpu.memory_space<vmem>>, vector<16xi32>,
          %mul3A_105 = arith.constant 16 : i32
          %mul3A_106 = arith.muli %while3A_100, %mul3A_105 : i32
          %add3A_107 = vector.broadcast %mul3A_106 : i32 to vector<16xi32>
          %add3A_108 = arith.addi %add3A_107, %iota3A : vector<16xi32>
          %lt3A = vector.broadcast %parallel_loop3A_56 : i32 to vector<16xi32>
          %lt3A_109 = arith.cmpi slt, %add3A_108, %lt3A : vector<16xi32>
          %ge3A_110 = vector.broadcast %xor3A_82 : i32 to vector<16xi32>
          %ge3A_111 = arith.cmpi sge, %get3A_104, %ge3A_110 : vector<16xi32>
          %and3A_112 = arith.andi %lt3A_109, %ge3A_111 : vector<16xi1>
          %jit3A_113 = arith.constant 1 : i32
          %jit3A_114 = arith.constant 0 : i32
          %broadcast_in_dim3A_115 = vector.broadcast %jit3A_113 : i32 to vector<16xi32>
          %broadcast_in_dim3A_116 = vector.broadcast %jit3A_114 : i32 to vector<16xi32>
          %select_n3A_117 = arith.select %and3A_112, %broadcast_in_dim3A_115, %broadcast_in_dim3A_116 : vector<16xi1>, vector<16xi32>
          %add3A_118 = arith.addi %while3A_101, %select_n3A_117 : vector<16xi32>
          scf.yield %add3A_118 : vector<16xi32>
        }
        %while3A_94 = arith.constant 1 : i32
        %while3A_95 = scf.for %while3A_100 = %while3A_91 to %while3A_87 step %while3A_94 iter_args(%while3A_101 = %while3A_93) -> (vector<16xi32>)  : i32 {
          %mul3A_102 = arith.constant 16 : i32
          %mul3A_103 = arith.muli %while3A_100, %mul3A_102 : i32
          %get3A = arith.index_cast %mul3A_103 : i32 to index
          %get3A_104 = tpu.vector_load %arg6[%get3A] {strides = array<i32>} : memref<32768xi32, #tpu.memory_space<vmem>>, vector<16xi32>,
          %mul3A_105 = arith.constant 16 : i32
          %mul3A_106 = arith.muli %while3A_100, %mul3A_105 : i32
          %add3A_107 = vector.broadcast %mul3A_106 : i32 to vector<16xi32>
          %add3A_108 = arith.addi %add3A_107, %iota3A : vector<16xi32>
          %lt3A = vector.broadcast %parallel_loop3A_56 : i32 to vector<16xi32>
          %lt3A_109 = arith.cmpi slt, %add3A_108, %lt3A : vector<16xi32>
          %ge3A_110 = vector.broadcast %xor3A_82 : i32 to vector<16xi32>
          %ge3A_111 = arith.cmpi sge, %get3A_104, %ge3A_110 : vector<16xi32>
          %and3A_112 = arith.andi %lt3A_109, %ge3A_111 : vector<16xi1>
          %jit3A_113 = arith.constant 1 : i32
          %jit3A_114 = arith.constant 0 : i32
          %broadcast_in_dim3A_115 = vector.broadcast %jit3A_113 : i32 to vector<16xi32>
          %broadcast_in_dim3A_116 = vector.broadcast %jit3A_114 : i32 to vector<16xi32>
          %select_n3A_117 = arith.select %and3A_112, %broadcast_in_dim3A_115, %broadcast_in_dim3A_116 : vector<16xi1>, vector<16xi32>
          %add3A_118 = arith.addi %while3A_101, %select_n3A_117 : vector<16xi32>
          scf.yield %add3A_118 : vector<16xi32>
        }
        %reduce_sum3A = arith.constant true
        %reduce_sum3A_96 = vector.broadcast %reduce_sum3A : i1 to vector<16xi1>
        %reduce_sum3A_97 = tpu.scan <sum>, %while3A_95 masked %reduce_sum3A_96 : vector<16xi32>, vector<16xi1> -> vector<16xi32>
        %reduce_sum3A_98 = vector.extract %reduce_sum3A_97[15] : i32 from vector<16xi32>
        %ge3A = arith.cmpi sge, %reduce_sum3A_98, %sub3A_51 : i32
        %select_n3A_99 = arith.select %ge3A, %or3A_78, %scan3A_73 : i32
        scf.yield %select_n3A_99 : i32
      }
      %scan3A_66 = arith.constant 17 : i32
      %shift_left3A = arith.constant 17 : i32
      %shift_left3A_67 = arith.shli %while3A_49#2, %shift_left3A : i32
      %or3A = arith.ori %shift_left3A_67, %scan3A_65 : i32
      %xor3A_68 = arith.xori %or3A, %scan3A_4 : i32
      %parallel_loop3A_69 = arith.constant 0 : i32
      %parallel_loop3A_70 = arith.constant 2048 : i32
      %parallel_loop3A_71 = arith.constant 1 : i32
      scf.for %parallel_loop3A_72 = %parallel_loop3A_69 to %parallel_loop3A_70 step %parallel_loop3A_71  : i32 {
        %parallel_loop3A_73 = arith.constant 16 : i32
        %parallel_loop3A_74 = arith.muli %parallel_loop3A_72, %parallel_loop3A_73 : i32
        %parallel_loop3A_75 = arith.index_cast %parallel_loop3A_74 : i32 to index
        %parallel_loop3A_76 = tpu.vector_load %arg4[%parallel_loop3A_75] {strides = array<i32>} : memref<32768xf32, #tpu.memory_space<vmem>>, vector<16xf32>,
        %parallel_loop3A_77 = vector.bitcast %parallel_loop3A_76 : vector<16xf32> to vector<16xi32>
        %parallel_loop3A_78 = arith.constant 0 : i32
        %parallel_loop3A_79 = vector.broadcast %parallel_loop3A_78 : i32 to vector<16xi32>
        %parallel_loop3A_80 = arith.cmpi slt, %parallel_loop3A_77, %parallel_loop3A_79 : vector<16xi32>
        %parallel_loop3A_81 = vector.broadcast %scan3A : i32 to vector<16xi32>
        %parallel_loop3A_82 = arith.xori %parallel_loop3A_77, %parallel_loop3A_81 : vector<16xi32>
        %parallel_loop3A_83 = arith.select %parallel_loop3A_80, %parallel_loop3A_82, %parallel_loop3A_77 : vector<16xi1>, vector<16xi32>
        %parallel_loop3A_84 = vector.broadcast %xor3A_68 : i32 to vector<16xi32>
        %parallel_loop3A_85 = arith.cmpi sge, %parallel_loop3A_83, %parallel_loop3A_84 : vector<16xi32>
        %parallel_loop3A_86 = arith.constant 1.000000e+00 : f32
        %parallel_loop3A_87 = arith.constant 0.000000e+00 : f32
        %parallel_loop3A_88 = vector.broadcast %parallel_loop3A_86 : f32 to vector<16xf32>
        %parallel_loop3A_89 = vector.broadcast %parallel_loop3A_87 : f32 to vector<16xf32>
        %parallel_loop3A_90 = arith.select %parallel_loop3A_85, %parallel_loop3A_88, %parallel_loop3A_89 : vector<16xi1>, vector<16xf32>
        %parallel_loop3A_91 = arith.constant 16 : i32
        %parallel_loop3A_92 = arith.muli %parallel_loop3A_72, %parallel_loop3A_91 : i32
        %parallel_loop3A_93 = arith.index_cast %parallel_loop3A_92 : i32 to index
        %parallel_loop3A_94 = tpu.vector_load %arg4[%parallel_loop3A_93] {strides = array<i32>} : memref<32768xf32, #tpu.memory_space<vmem>>, vector<16xf32>,
        tpu.vector_store %arg4[%parallel_loop3A_93], %parallel_loop3A_90 {strides = array<i32>} : memref<32768xf32, #tpu.memory_space<vmem>>, vector<16xf32>,
        %parallel_loop3A_95 = arith.constant 0 : i32
        %parallel_loop3A_96 = vector.broadcast %parallel_loop3A_95 : i32 to vector<16xi32>
        %parallel_loop3A_97 = arith.constant 16 : i32
        %parallel_loop3A_98 = arith.muli %parallel_loop3A_72, %parallel_loop3A_97 : i32
        %parallel_loop3A_99 = arith.index_cast %parallel_loop3A_98 : i32 to index
        %parallel_loop3A_100 = tpu.vector_load %arg5[%parallel_loop3A_99] {strides = array<i32>} : memref<32768xi32, #tpu.memory_space<vmem>>, vector<16xi32>,
        tpu.vector_store %arg5[%parallel_loop3A_99], %parallel_loop3A_96 {strides = array<i32>} : memref<32768xi32, #tpu.memory_space<vmem>>, vector<16xi32>,
      } {sc.loop_unroll_factor = 8 : i64, sc.parallel_access}
      "tpu.region"() ({
        %run_scoped3A = tpu.sem_alloc : memref<!tpu.dma_semaphore, #tpu.memory_space<semaphore_mem>>
        %dma_start3A = arith.constant 0 : i32
        %dma_start3A_72 = tpu.memref_slice %arg3[%add3A_16, %dma_start3A] : memref<128x32768xf32, #tpu.memory_space<hbm>> -> memref<1x32768xf32, #tpu.memory_space<hbm>>
        %dma_start3A_73 = tpu.memref_squeeze %dma_start3A_72 : memref<1x32768xf32, #tpu.memory_space<hbm>> -> memref<32768xf32, #tpu.memory_space<hbm>>
        %dma_start3A_74 = arith.constant 0 : i32
        %dma_start3A_75 = tpu.memref_slice %arg3[%add3A_16, %dma_start3A_74] : memref<128x32768xf32, #tpu.memory_space<hbm>> -> memref<1x32768xf32, #tpu.memory_space<hbm>>
        %dma_start3A_76 = tpu.memref_squeeze %dma_start3A_75 : memref<1x32768xf32, #tpu.memory_space<hbm>> -> memref<32768xf32, #tpu.memory_space<hbm>>
        tpu.enqueue_dma source(%arg4 : memref<32768xf32, #tpu.memory_space<vmem>>) target(%dma_start3A_76 : memref<32768xf32, #tpu.memory_space<hbm>>) target_semaphore(%run_scoped3A : memref<!tpu.dma_semaphore, #tpu.memory_space<semaphore_mem>>)
        %dma_wait3A = arith.constant 0 : i32
        %dma_wait3A_77 = tpu.memref_slice %arg3[%add3A_16, %dma_wait3A] : memref<128x32768xf32, #tpu.memory_space<hbm>> -> memref<1x32768xf32, #tpu.memory_space<hbm>>
        %dma_wait3A_78 = tpu.memref_squeeze %dma_wait3A_77 : memref<1x32768xf32, #tpu.memory_space<hbm>> -> memref<32768xf32, #tpu.memory_space<hbm>>
        %dma_wait3A_79 = arith.constant 0 : i32
        %dma_wait3A_80 = tpu.memref_slice %arg3[%add3A_16, %dma_wait3A_79] : memref<128x32768xf32, #tpu.memory_space<hbm>> -> memref<1x32768xf32, #tpu.memory_space<hbm>>
        %dma_wait3A_81 = tpu.memref_squeeze %dma_wait3A_80 : memref<1x32768xf32, #tpu.memory_space<hbm>> -> memref<32768xf32, #tpu.memory_space<hbm>>
        tpu.wait_dma2 semaphore(%run_scoped3A : memref<!tpu.dma_semaphore, #tpu.memory_space<semaphore_mem>>) src(%arg4 : memref<32768xf32, #tpu.memory_space<vmem>>) dst(%dma_wait3A_81 : memref<32768xf32, #tpu.memory_space<hbm>>)
        tpu.yield
      }) : () -> ()
      scf.yield %while3A_49#3 : i32
    }
    %scan3A_11 = arith.constant 4 : i32
    return
  }
}

</mosaic_0001>

<sc_bundles>
// kernel: kernel.3.cloned.1.call-start
scs
__scs_entry_jumppad:
0x0: {  	(pc) =	sbr.rel $0x88, $3  }
0x1: {  	(tag) =	ssettag $0x0;
	lr =	simm.s32 $0x1  }
0x2: {  	[smem:$0x3FA0] =	sst lr;
	_ =	strace $0xD0000000  }
0x3: {  	_ = 	snop  }
0x4: {  	_ = 	snop  }
0x5: {  	_ = 	snop  }
0x6: {  	_ = 	snop  }
0x7: {  	_ = 	snop  }
__scs_overlays_trampoline_lowered:
0x8: {  	[smem:$0x3FAF] =	sst s0  }
0x9: {  	[smem:$0x3FB0] =	sst s1  }
0xa: {  	[smem:$0x3FB1] =	sst s2  }
0xb: {  	[smem:$0x3FB2] =	sst s3  }
0xc: {  	[smem:$0x3FB3] =	sst s4  }
0xd: {  	[smem:$0x3FB4] =	sst s5  }
0xe: {  	[smem:$0x3FB5] =	sst s6  }
0xf: {  	[smem:$0x3FB6] =	sst s7  }
0x10: {  	[smem:$0x3FB7] =	sst s8  }
0x11: {  	[smem:$0x3FB8] =	sst s9;
	s0 =	simm.s32 @!p0 $0x0  }
0x12: {  	s1 =	sld [smem:$0x3F9E];
	s0 =	simm.s32 @p0 $0x1  }
0x13: {  	[smem:$0x3FB9] =	sst s0;
	s0 =	simm.s32 @!p1 $0x0  }
0x14: {  	s2 =	sld [smem:$0x3F9D];
	s0 =	simm.s32 @p1 $0x1  }
0x15: {  	[smem:$0x3FBA] =	sst s0;
	s0 =	simm.s32 @!p2 $0x0  }
0x16: {  	s3 =	sld [smem:$0x3FDB];
	s0 =	simm.s32 @p2 $0x1  }
0x17: {  	s4 =	simm.s32 $0x1BF5;
	[smem:$0x3FBC] =	sst s0  }
0x18: {  	s0 =	sld [smem:$0x3F9F];
	_ =	swait.ge [sflag:s4], $0x0  }
0x19: {  	s7 =	sld [smem:$0x3FA0]  }
0x1a: {  	s8 =	sadd.s32 $0xFFFFE003, lr  }
0x1b: {  	s9 =	sadd.s32 $0xFFFFFEF7, lr;
	s5 =	simm.s32 $0xFFFFFFFF;
	p2 =	slt.u32 s8, $0xFFFFF086  }
0x1c: {  	p1 =	slt.u32 s9, $0xF7A;
	s5 =	simm.s32 @!p2 $0x0  }
0x1d: {  	s5 =	simm.s32 @p1 $0x1;
	p0 =	seq.s32 s7, s2  }
0x1e: {  	s7 =	smul.u32 @!p0 $0xF7A, s2;
	p2 =	seq.s32 @!p0 s5, $0x0  }
0x1f: {  	s9 =	smul.u32 $0xF7A, s1;
	s8 =	simm.s32 @!p0 $0x1BF5;
	p2 =	por !p2, p0  }
0x20: {  	[sflag:s8] =	ssyncset.s32 @!p0 $0xFFFFF086;
	s6 =	sadd.s32 @!p0 s3, s7;
	s7 =	simm.s32 @!p0 $0x108  }
0x21: {  	s3 =	sadd.s32 s3, s9;
	s6 =	sadd.s32 @!p0 $0x88, s6;
	s7 =	simm.s32 @p2 $0x1082  }
0x22: {  	[simem:s7], [sflag:s8] =	dma.local @!p0 [hbm:s6], $0xF7A  }
0x23: {  	s9 =	sor.u32 $0xD0000000, s2;
	s6 =	simm.s32 $0x108;
	_ =	swait.ge @!p0 [sflag:s8], $0x0  }
0x24: {  	s3 =	sadd.s32 $0x88, s3;
	s6 =	simm.s32 @!p1 $0x1082;
	[sflag:s4] =	ssyncset.s32 $0xFFFFF086  }
0x25: {  	[simem:s6], [sflag:s4] =	dma.local [hbm:s3], $0xF7A  }
0x26: {  	[smem:$0x3FA0] =	sst s1;
	(tag) =	ssettag s2;
	_ =	strace s9  }
0x27: {  	s1 =	sld [smem:$0x3FB0]  }
0x28: {  	s2 =	sld [smem:$0x3FB1]  }
0x29: {  	s4 =	sld [smem:$0x3FB3]  }
0x2a: {  	p0 =	seq.s32 s5, $0x0;
	s5 =	sld [smem:$0x3FB4]  }
0x2b: {  	s6 =	sld [smem:$0x3FB5]  }
0x2c: {  	s7 =	sld [smem:$0x3FB6]  }
0x2d: {  	s3 =	simm.s32 $0x108;
	s8 =	sld [smem:$0x3FB7]  }
0x2e: {  	s3 =	simm.s32 @!p0 $0x1082;
	s9 =	sld [smem:$0x3FB8]  }
0x2f: {  	lr =	sadd.s32 s0, s3;
	s0 =	sld [smem:$0x3FAF]  }
0x30: {  	s3 =	sld [smem:$0x3FB2]  }
0x31: {  	[smem:$0x3FBB] =	sst s10  }
0x32: {  	s10 =	sld [smem:$0x3FB9];
	_ =	sdelay $0x3  }
0x33: {  	p0 =	seq.s32 s10, $0x1;
	s10 =	sld [smem:$0x3FBB];
	_ =	sdelay $0x3  }
0x34: {  	[smem:$0x3FBB] =	sst s10  }
0x35: {  	s10 =	sld [smem:$0x3FBA];
	_ =	sdelay $0x3  }
0x36: {  	p1 =	seq.s32 s10, $0x1;
	s10 =	sld [smem:$0x3FBB];
	_ =	sdelay $0x3  }
0x37: {  	[smem:$0x3FBB] =	sst s10  }
0x38: {  	s10 =	sld [smem:$0x3FBC]  }
0x39: {  	_ = 	snop;
	(pc) =	sbr.ind lr, $3  }
0x3a: {  	_ = 	snop  }
0x3b: {  	_ = 	snop  }
0x3c: {  	p2 =	seq.s32 s10, $0x1;
	s10 =	sld [smem:$0x3FBB]  }
0x3d: {  	_ =	shalt  }
0x3e: {  	_ =	shalt  }
0x3f: {  	_ =	shalt  }
0x40: {  	_ =	shalt  }
0x41: {  	_ =	shalt  }
0x42: {  	_ =	shalt  }
0x43: {  	_ =	shalt  }
0x44: {  	_ =	shalt  }
0x45: {  	_ =	shalt  }
0x46: {  	_ =	shalt  }
0x47: {  	_ =	shalt  }
0x48: {  	_ =	shalt  }
0x49: {  	_ =	shalt  }
0x4a: {  	_ =	shalt  }
0x4b: {  	_ =	shalt  }
0x4c: {  	_ =	shalt  }
0x4d: {  	_ =	shalt  }
0x4e: {  	_ =	shalt  }
0x4f: {  	_ =	shalt  }
0x50: {  	_ =	shalt  }
0x51: {  	_ =	shalt  }
0x52: {  	_ =	shalt  }
0x53: {  	_ =	shalt  }
0x54: {  	_ =	shalt  }
0x55: {  	_ =	shalt  }
0x56: {  	_ =	shalt  }
0x57: {  	_ =	shalt  }
0x58: {  	_ =	shalt  }
0x59: {  	_ =	shalt  }
0x5a: {  	_ =	shalt  }
0x5b: {  	_ =	shalt  }
0x5c: {  	_ =	shalt  }
0x5d: {  	_ =	shalt  }
0x5e: {  	_ =	shalt  }
0x5f: {  	_ =	shalt  }
0x60: {  	_ =	shalt  }
0x61: {  	_ =	shalt  }
0x62: {  	_ =	shalt  }
0x63: {  	_ =	shalt  }
0x64: {  	_ =	shalt  }
0x65: {  	_ =	shalt  }
0x66: {  	_ =	shalt  }
0x67: {  	_ =	shalt  }
0x68: {  	_ =	shalt  }
0x69: {  	_ =	shalt  }
0x6a: {  	_ =	shalt  }
0x6b: {  	_ =	shalt  }
0x6c: {  	_ =	shalt  }
0x6d: {  	_ =	shalt  }
0x6e: {  	_ =	shalt  }
0x6f: {  	_ =	shalt  }
0x70: {  	_ =	shalt  }
0x71: {  	_ =	shalt  }
0x72: {  	_ =	shalt  }
0x73: {  	_ =	shalt  }
0x74: {  	_ =	shalt  }
0x75: {  	_ =	shalt  }
0x76: {  	_ =	shalt  }
0x77: {  	_ =	shalt  }
0x78: {  	_ =	shalt  }
0x79: {  	_ =	shalt  }
0x7a: {  	_ =	shalt  }
0x7b: {  	_ =	shalt  }
0x7c: {  	_ =	shalt  }
0x7d: {  	_ =	shalt  }
0x7e: {  	_ =	shalt  }
0x7f: {  	_ =	shalt  }
0x80: {  	_ =	shalt  }
0x81: {  	_ =	shalt  }
0x82: {  	_ =	shalt  }
0x83: {  	_ =	shalt  }
0x84: {  	_ =	shalt  }
0x85: {  	_ =	shalt  }
0x86: {  	_ =	shalt  }
0x87: {  	_ =	shalt  }
.Lfunc_end0:
.L_simem_size_0:
called_computation_lowered:
.L_overlay_start_0:
0x88: {  	s2 =	sld [smem:$0x3FD9]  }
0x89: {  	s3 =	sld [smem:$0x3FFE];
	_ =	sdelay $0x1  }
0x8a: {  	s1 =	srdreg.scid  }
0x8b: {  	s0 =	sand.u32 $0x1, s1  }
0x8c: {  	s18 =	sshll.u32 s0, $0xA;
	s2 =	sadd.s32 s3, s2  }
0x8d: {  	s2 =	sadd.s32 s2, s18  }
0x8e: {  	[smem:$0x3FC7] =	sst s2  }
0x8f: {  	_ = 	snop  }
0x90: {  	s2 =	sld [smem:$0x3FC9]  }
0x91: {  	s19 =	sld [smem:$0x3FD0];
	(tm) =	ssettm $0x1  }
0x92: {  	s4 =	sld [smem:$0x3FFB];
	_ =	sdelay $0x3  }
0x93: {  	_ =	strace s4  }
0x94: {  	s4 =	sld [smem:$0x3FFC];
	_ =	sdelay $0x3  }
0x95: {  	_ =	strace s4  }
0x96: {  	s4 =	sld [smem:$0x3FFD];
	_ =	sdelay $0x3  }
0x97: {  	_ =	strace s4  }
0x98: {  	_ =	strace $0x8FFFFFFF  }
0x99: {  	s20 =	sld [smem:$0x3FDB];
	_ =	sdelay $0x1  }
0x9a: {  	s5 =	simm.s32 $_scs_section_size  }
0x9b: {  	s6 =	simm.s32 $_size__tile_overlayer_lowered;
	s7 =	simm.s32 $_tile_overlayer_lowered  }
0x9c: {  	s23 =	simm.s32 $0x1BFF;
	s22 =	sshll.u32 s7, $0x1;
	s4 =	sadd.s32 s5, s20  }
0x9d: {  	s8 =	simm.s32 $0x0;
	s21 =	sshll.u32 s6, $0x1;
	s6 =	sadd.s32 s22, s4  }
0x9e: {  	[timem:s8], [sflag:s23] =	dma.local [hbm:s6], s21  }
0x9f: {  	_ =	swait.ge [sflag:s23], s21  }
0xa0: {  	s5 =	ssub.s32 $0x0, s21;
	[sflag:s23] =	ssyncset.done $0x0  }
0xa1: {  	[sflag:s23] =	ssyncadd.s32 s5;
	_ =	sdelay $0x1  }
0xa2: {  	s24 =	simm.s32 $0x1B8B  }
0xa3: {  	_ =	swait.ge [sflag:s24], $0x1  }
0xa4: {  	[sflag:s24] =	ssyncset.done $0x0  }
0xa5: {  	s25 =	simm.s32 $0x1B8E;
	[sflag:s24] =	ssyncadd.s32 $0xFFFFFFFF  }
0xa6: {  	s26 =	simm.s32 $execute0_lowered;
	[smem:$0x3FD2] =	sst s25  }
0xa7: {  	s5 =	sshll.u32 s26, $0x1;
	_ =	strace $0x80000046;
	[dreg:$0x1] =	wrdreg $0xFFFFFFFF  }
0xa8: {  	s28 =	simm.s32 $_size_execute0_lowered;
	s4 =	sadd.s32 s4, s5;
	[dreg:$0x0] =	wrdreg $0x0  }
0xa9: {  	s5 =	sshll.u32 s28, $0x1;
	[dreg:$0x2] =	wrdreg s4  }
0xaa: {  	[dreg:$0x3] =	wrdreg s5  }
0xab: {  	[dreg:$0x4] =	wrdreg $0xC0  }
0xac: {  	_ =	task [dreg:s8], $0x5FFFF  }
0xad: {  	[dreg:$0x1] =	wrdreg $0xFFFFFFFF  }
0xae: {  	[dreg:$0x0] =	wrdreg $0x60  }
0xaf: {  	[dreg:$0x2] =	wrdreg s2  }
0xb0: {  	[dreg:$0x3] =	wrdreg s19  }
0xb1: {  	[dreg:$0x4] =	wrdreg $0x9  }
0xb2: {  	_ =	task.clear_ibuf [dreg:s8], $0x5FFFF;
	_ =	strace $0x90000046  }
0xb3: {  	s29 =	simm.s32 $0x9;
	_ =	strace $0x80000048  }
0xb4: {  	_ =	swait.ge [sflag:s29], $0x1  }
0xb5: {  	[sflag:s29] =	ssyncadd.s32 $0xFFFFFFFF  }
0xb6: {  	_ =	strace $0x90000048  }
0xb7: {  	_ =	sfence  }
0xb8: {  	s30 =	sld [smem:$0x0];
	_ =	sdelay $0x2  }
0xb9: {  	s31 =	sshll.u32 s1, $0xD;
	s1 =	sshrl.u32 s1, $0x2  }
0xba: {  	s3 =	sand.u32 $0x4000, s31;
	s1 =	sadd.s32 s1, s30  }
0xbb: {  	s0 =	sor.u32 s3, s0;
	s1 =	sshll.u32 s1, $0x11  }
0xbc: {  	s0 =	sor.u32 s1, s0  }
0xbd: {  	s0 =	sadd.s32 $0x8F2B, s0  }
0xbe: {  	[sflag:s0] =	ssyncadd.remote.s32 $0x1  }
0xbf: {  	_ =	sfence.sel $0xFFFF  }
0xc0: {  	[dreg:$0x0] =	wrdreg $0xFFFFFFFF;
	(pc) =	sbr.abs _section_cstart, $3  }
0xc1: {  	[dreg:$0x1] =	wrdreg $0xFFFFFFFF  }
0xc2: {  	_ =	task.clear_ibuf [dreg:s8], $0x2FFFF;
	_ =	strace $0x9FFFFFFF  }
0xc3: {  	(tm) =	ssettm $0x7FFFFFFF  }
tec
execute0_lowered:
.L_overlay_start_1:
0x0: {  	(tag) =	ssettag $0x1  }
0x1: {  	s1 =	rddreg [dreg:$0x0]  }
0x2: {  	s0 =	srdreg.scid;
	s2 =	rddreg [dreg:$0x1];
	s4 =	simm.s32 $0x0  }
0x3: {  	s3 =	stileid.u32;
	s8 =	simm.s32 $0x400;
	s9 =	simm.s32 $0x1  }
0x4: {  	s10 =	simm.s32 $0x8000;
	s11 =	simm.s32 $0x10000;
	s5 =	sand.u32 $0x1, s0  }
0x5: {  	v0 =	vlaneseq.u32;
	s12 =	simm.s32 $0x0;
	s0 =	rddreg [dreg:$0x2];
	s6 =	ssub.s32 $0x2, s5  }
0x6: {  	[smem:$0x7FF] =	sst s4;
	s31 =	sshll.u32 s3, $0xF;
	v3 =	vmul.u32 $0xFFFFFFFF, v0;
	s7 =	sshrl.u32 s6, $0x1  }
0x7: {  	v1 =	vimm.s32 $0x0;
	s5 =	sshll.u32 s5, $0x6;
	_ =	strace $0x80000047;
	s6 =	ssub.s32 s6, s7  }
0x8: {  	v2 =	vimm.s32 $0x1;
	v4 =	vimm.f32 $1.000000000e+00;
	s5 =	sor.u32 s31, s5;
	v3 =	vadd.s32 $0xF, v3;
	s7 =	simm.s32 $0x80;
	s6 =	smax.u32 s6, $0x1  }
.LBB2_1:
0x9: {  	s13 =	simm.s32 $0x8040  }
0xa: {  	[tilespmem:s13+$0xFFFFFFC0] =	vst v1  }
0xb: {  	[tilespmem:s13+$0x30] =	vst v1  }
0xc: {  	[tilespmem:s13+$0x20] =	vst v1  }
0xd: {  	[tilespmem:s13+$0x10] =	vst v1  }
0xe: {  	[tilespmem:s13+$0x0] =	vst v1  }
0xf: {  	[tilespmem:s13+$0xFFFFFFF0] =	vst v1  }
0x10: {  	s14 =	simm.s32 $0x0;
	[tilespmem:s13+$0xFFFFFFE0] =	vst v1  }
.LBB2_2:
0x11: {  	s14 =	sadd.s32 $0x8, s14;
	[tilespmem:s13+$0xFFFFFFD0] =	vst v1;
	s13 =	sadd.s32 $0x80, s13  }
0x12: {  	[tilespmem:s13+$0xFFFFFFC0] =	vst v1;
	p0 =	slt.u32 s14, $0x7F8  }
0x13: {  	[tilespmem:s13+$0x30] =	vst v1  }
.Ltmp0:
0x14: {  	[tilespmem:s13+$0x20] =	vst v1;
	(pc) =	sbr.rel @p0 .LBB2_2-.Ltmp0, $4  }
0x15: {  	[tilespmem:s13+$0x10] =	vst v1  }
0x16: {  	[tilespmem:s13+$0x0] =	vst v1  }
0x17: {  	[tilespmem:s13+$0xFFFFFFF0] =	vst v1  }
0x18: {  	[tilespmem:s13+$0xFFFFFFE0] =	vst v1  }
0x19: {  	[tilespmem:s13+$0xFFFFFFD0] =	vst v1;
	s13 =	simm.s32 $0x0  }
.LBB2_4:
0x1a: {  	s14 =	sshll.u32 s13, $0x4  }
0x1b: {  	s14 =	sadd.s32 s5, s14  }
0x1c: {  	s15 =	sadd.s32 s1, s14  }
0x1d: {  	[tilespmem:s4], [sflag:$0x1] =	stream.strided.gather [hbm4b:s15+s7], $0x8000, s8, s7, $0x38;
	[tilespmem:$0x18000] =	vst v63  }
0x1e: {  	_ =	swait.ge [sflag:s9], $0x8000  }
0x1f: {  	[sflag:s9] =	ssyncset.done $0x0  }
0x20: {  	s16 =	simm.s32 $0x40;
	[sflag:s9] =	ssyncadd.s32 $0xFFFF8000  }
0x21: {  	v5 =	vld [tilespmem:s16+$0xFFFFFFC0];
	_ =	sdelay $0x1  }
0x22: {  	v6 =	vld [tilespmem:s16+$0xFFFFFFD0];
	_ =	sdelay $0x1  }
0x23: {  	v7 =	vld [tilespmem:s16+$0xFFFFFFE0]  }
0x24: {  	vm0 =	vlt.s32 v5, $0x0;
	v8 =	vxor.u32 $0x7FFFFFFF, v5  }
0x25: {  	v9 =	vimm.s32 $0x80000000;
	v10 =	vld [tilespmem:s16+$0xFFFFFFF0];
	v8 =	vsel vm0, v8, v5  }
0x26: {  	vm1 =	vlt.s32 v6, $0x0;
	v11 =	vxor.u32 $0x7FFFFFFF, v6;
	vm0 =	vgt.s32 v9, v8  }
0x27: {  	v5 =	vshrl.u32 v8, $0x11;
	v8 =	vsel vm0, v9, v8;
	v9 =	vsel vm1, v11, v6;
	v11 =	vld [tilespmem:s16+$0x0]  }
0x28: {  	vm11 =	vlt.s32 v7, $0x0;
	v12 =	vxor.u32 $0x7FFFFFFF, v7;
	vm0 =	vgt.s32 v8, v9  }
0x29: {  	v6 =	vshrl.u32 v9, $0x11;
	v8 =	vsel vm0, v8, v9;
	v9 =	vsel vm11, v12, v7  }
0x2a: {  	vm12 =	vlt.s32 v10, $0x0;
	v13 =	vxor.u32 $0x7FFFFFFF, v10;
	vm0 =	vgt.s32 v8, v9  }
0x2b: {  	v10 =	vsel vm12, v13, v10;
	v12 =	vld [tilespmem:s16+$0x10];
	v7 =	vshrl.u32 v9, $0x11;
	v9 =	vsel vm0, v8, v9  }
0x2c: {  	vm0 =	vgt.s32 v9, v10;
	vm13 =	vlt.s32 v11, $0x0;
	v13 =	vxor.u32 $0x7FFFFFFF, v11  }
0x2d: {  	v14 =	vld [tilespmem:s16+$0x20];
	v8 =	vshrl.u32 v10, $0x11;
	v10 =	vsel vm0, v9, v10;
	v11 =	vsel vm13, v13, v11  }
0x2e: {  	vm0 =	vgt.s32 v10, v11  }
0x2f: {  	v9 =	vshrl.u32 v11, $0x11;
	v15 =	vsel vm0, v10, v11;
	v11 =	vld [tilespmem:s16+$0x30]  }
0x30: {  	vm14 =	vlt.s32 v12, $0x0;
	v13 =	vxor.u32 $0x7FFFFFFF, v12  }
0x31: {  	v12 =	vsel vm14, v13, v12  }
0x32: {  	vm15 =	vlt.s32 v14, $0x0;
	v16 =	vxor.u32 $0x7FFFFFFF, v14;
	vm0 =	vgt.s32 v15, v12  }
0x33: {  	s15 =	simm.s32 $0x0;
	s16 =	simm.s32 $0xC0;
	v10 =	vshrl.u32 v12, $0x11;
	v13 =	vsel vm0, v15, v12;
	v12 =	vsel vm15, v16, v14  }
.LBB2_5:
0x34: {  	v14 =	vld [tilespmem:s16+$0xFFFFFFC0];
	s15 =	sadd.s32 $0x8, s15;
	vm0 =	vgt.s32 v13, v12;
	vm1 =	vlt.s32 v11, $0x0;
	v15 =	vxor.u32 $0x7FFFFFFF, v11  }
0x35: {  	v16 =	vshrl.u32 v12, $0x11;
	p0 =	slt.u32 s15, $0x7F8;
	v12 =	vsel vm0, v13, v12;
	v11 =	vsel vm1, v15, v11  }
0x36: {  	v5 =	vxor.u32 $0x4000, v5;
	v13 =	vld [tilespmem:s16+$0xFFFFFFD0];
	v15 =	vshrl.u32 v11, $0x11;
	vm0 =	vgt.s32 v12, v11  }
0x37: {  	v6 =	vxor.u32 $0x4000, v6;
	v7 =	vxor.u32 $0x4000, v7;
	v11 =	vsel vm0, v12, v11  }
0x38: {  	v8 =	vxor.u32 $0x4000, v8;
	v9 =	vxor.u32 $0x4000, v9;
	v10 =	vxor.u32 $0x4000, v10;
	v12 =	vld [tilespmem:s16+$0xFFFFFFE0]  }
0x39: {  	v16 =	vxor.u32 $0x4000, v16;
	vm0 =	vlt.s32 v14, $0x0;
	v17 =	vxor.u32 $0x7FFFFFFF, v14  }
0x3a: {  	v15 =	vxor.u32 $0x4000, v15;
	v14 =	vsel vm0, v17, v14;
	v17 =	vld [tilespmem:s16+$0xFFFFFFF0]  }
0x3b: {  	vm0 =	vgt.s32 v11, v14;
	vm1 =	vlt.s32 v13, $0x0;
	v18 =	vxor.u32 $0x7FFFFFFF, v13;
	[tilespmem:v5+s10+$0x0] =	vst.idx.add.s32.msk $0xffff, v2  }
0x3c: {  	v5 =	vshrl.u32 v14, $0x11;
	v11 =	vsel vm0, v11, v14;
	v13 =	vsel vm1, v18, v13;
	v14 =	vld [tilespmem:s16+$0x0]  }
0x3d: {  	vm0 =	vgt.s32 v11, v13;
	vm1 =	vlt.s32 v12, $0x0;
	v18 =	vxor.u32 $0x7FFFFFFF, v12;
	[tilespmem:v6+s10+$0x0] =	vst.idx.add.s32.msk $0xffff, v2  }
0x3e: {  	v6 =	vshrl.u32 v13, $0x11;
	v11 =	vsel vm0, v11, v13;
	v12 =	vsel vm1, v18, v12;
	v13 =	vld [tilespmem:s16+$0x10]  }
0x3f: {  	vm0 =	vgt.s32 v11, v12;
	vm1 =	vlt.s32 v17, $0x0;
	v18 =	vxor.u32 $0x7FFFFFFF, v17;
	[tilespmem:v7+s10+$0x0] =	vst.idx.add.s32.msk $0xffff, v2  }
0x40: {  	v7 =	vshrl.u32 v12, $0x11;
	v11 =	vsel vm0, v11, v12;
	v12 =	vsel vm1, v18, v17;
	v17 =	vld [tilespmem:s16+$0x20]  }
0x41: {  	vm0 =	vgt.s32 v11, v12;
	vm1 =	vlt.s32 v14, $0x0;
	v18 =	vxor.u32 $0x7FFFFFFF, v14;
	[tilespmem:v8+s10+$0x0] =	vst.idx.add.s32.msk $0xffff, v2  }
.Ltmp1:
0x42: {  	v8 =	vshrl.u32 v12, $0x11;
	v12 =	vsel vm0, v11, v12;
	v14 =	vsel vm1, v18, v14;
	v11 =	vld [tilespmem:s16+$0x30];
	(pc) =	sbr.rel @p0 .LBB2_5-.Ltmp1, $4  }
0x43: {  	vm0 =	vgt.s32 v12, v14;
	vm1 =	vlt.s32 v13, $0x0;
	v18 =	vxor.u32 $0x7FFFFFFF, v13;
	[tilespmem:v9+s10+$0x0] =	vst.idx.add.s32.msk $0xffff, v2  }
0x44: {  	v9 =	vshrl.u32 v14, $0x11;
	v12 =	vsel vm0, v12, v14;
	v13 =	vsel vm1, v18, v13;
	[tilespmem:v10+s10+$0x0] =	vst.idx.add.s32.msk $0xffff, v2  }
0x45: {  	vm0 =	vgt.s32 v12, v13;
	vm1 =	vlt.s32 v17, $0x0;
	v14 =	vxor.u32 $0x7FFFFFFF, v17;
	[tilespmem:v16+s10+$0x0] =	vst.idx.add.s32.msk $0xffff, v2  }
0x46: {  	s16 =	sadd.s32 $0x80, s16;
	v10 =	vshrl.u32 v13, $0x11;
	v13 =	vsel vm0, v12, v13;
	v12 =	vsel vm1, v14, v17;
	[tilespmem:v15+s10+$0x0] =	vst.idx.add.s32.msk $0xffff, v2  }
0x47: {  	vm0 =	vgt.s32 v13, v12;
	vm1 =	vlt.s32 v11, $0x0;
	v14 =	vxor.u32 $0x7FFFFFFF, v11  }
0x48: {  	v13 =	vsel vm0, v13, v12;
	v11 =	vsel vm1, v14, v11  }
0x49: {  	vm0 =	vgt.s32 v13, v11  }
0x4a: {  	v13 =	vsel vm0, v13, v11  }
0x4b: {  	v13 =	vxor.u32 $0x80000000, v13  }
0x4c: {  	(xrf0) =	vmax.scan.msk.u32 $0xffff, v13;
	_ =	sdelay $0x5  }
0x4d: {  	v13, _, _ =	vpop (xrf0)  }
0x4e: {  	(v2sf) =	vpush v13, $0xF;
	_ =	sdelay $0x5  }
0x4f: {  	v5 =	vxor.u32 $0x4000, v5  }
0x50: {  	v6 =	vxor.u32 $0x4000, v6  }
0x51: {  	v7 =	vxor.u32 $0x4000, v7  }
0x52: {  	v8 =	vxor.u32 $0x4000, v8  }
0x53: {  	v9 =	vxor.u32 $0x4000, v9  }
0x54: {  	v62 =	vshrl.u32 v12, $0x11;
	v10 =	vxor.u32 $0x4000, v10;
	[tilespmem:v5+s10+$0x0] =	vst.idx.add.s32.msk $0xffff, v2  }
0x55: {  	v63 =	vxor.u32 $0x4000, v62;
	v5 =	vshrl.u32 v11, $0x11;
	[tilespmem:v6+s10+$0x0] =	vst.idx.add.s32.msk $0xffff, v2  }
0x56: {  	[tilespmem:v7+s10+$0x0] =	vst.idx.add.s32.msk $0xffff, v2;
	v5 =	vxor.u32 $0x4000, v5  }
0x57: {  	[tilespmem:v8+s10+$0x0] =	vst.idx.add.s32.msk $0xffff, v2  }
0x58: {  	[tilespmem:v9+s10+$0x0] =	vst.idx.add.s32.msk $0xffff, v2;
	s15 =	spop (v2sf)  }
0x59: {  	[tilespmem:v10+s10+$0x0] =	vst.idx.add.s32.msk $0xffff, v2;
	s15 =	sshrl.u32 s15, $0x11  }
0x5a: {  	s16 =	simm.s32 $0x0;
	[tilespmem:v63+s10+$0x0] =	vst.idx.add.s32.msk $0xffff, v2;
	s15 =	sand.u32 $0x7FF0, s15  }
0x5b: {  	[tilespmem:v5+s10+$0x0] =	vst.idx.add.s32.msk $0xffff, v2;
	s17 =	sor.u32 $0x8000000F, s15;
	s18 =	sor.u32 $0x8000, s15;
	s15 =	simm.s32 $0x0  }
.LBB2_7:
0x5c: {  	v5 =	vld [tilespmem:s18+$0x0];
	_ =	sdelay $0x4  }
0x5d: {  	v5 =	vperm.xlane v5, v3;
	_ =	sdelay $0x1  }
0x5e: {  	(xrf0) =	vadd.scan.msk.s32 $0xffff, v5;
	_ =	sdelay $0x5  }
0x5f: {  	v6, _, _ =	vpop (xrf0)  }
0x60: {  	v7 =	vadd.s32 s16, v6  }
0x61: {  	vm0 =	vgt.s32 v7, $0x3FF  }
0x62: {  	v7 =	vsel vm0, $0x1, v1;
	v8 =	vmctz.xlane vm0  }
0x63: {  	v7 =	vor.u32 $0x80000000, v7  }
0x64: {  	(xrf0) =	vmax.scan.msk.u32 $0xffff, v7;
	v7 =	vxor.u32 $0x80000000, v8  }
0x65: {  	(xrf0) =	vmax.scan.msk.u32 $0xffff, v7;
	_ =	sdelay $0x4  }
0x66: {  	v7, _, _ =	vpop (xrf0)  }
0x67: {  	(v2sf) =	vpush v7, $0xF;
	v7, _, _ =	vpop (xrf0)  }
0x68: {  	(v2sf) =	vpush v7, $0xF;
	_ =	sdelay $0xd  }
0x69: {  	s19 =	spop (v2sf)  }
0x6a: {  	s20 =	spop (v2sf)  }
0x6b: {  	s21 =	sxor.u32 $0x80000000, s20  }
0x6c: {  	v7 =	vmov s21  }
0x6d: {  	vm15 =	vgt.s32 v7, v0  }
0x6e: {  	v5 =	vnsel vm15, $0x0, v5  }
0x6f: {  	(xrf0) =	vadd.scan.msk.s32 $0xffff, v5;
	_ =	sdelay $0x5  }
0x70: {  	v5, _, _ =	vpop (xrf0)  }
0x71: {  	(v2sf) =	vpush v5, $0xF  }
0x72: {  	(v2sf) =	vpush v6, $0xF;
	_ =	sdelay $0x9  }
0x73: {  	p1 =	seq.s32 s17, $0x8000000F  }
0x74: {  	p2 =	seq.s32 @!p1 s19, $0x80000000  }
0x75: {  	p1 =	por p1, !p2  }
.Ltmp2:
0x76: {  	_ = 	snop;
	(pc) =	sbr.rel @!p1 .LBB2_7-.Ltmp2, $4  }
0x77: {  	s21 =	spop (v2sf)  }
0x78: {  	p0 =	seq.s32 s19, $0x80000001;
	s22 =	spop (v2sf)  }
0x79: {  	s18 =	sadd.s32 $0xFFFFFFF0, s18;
	s19 =	ssub.s32 s17, s20;
	s22 =	smov.u32 @p0 s21  }
0x7a: {  	s17 =	sadd.s32 $0xFFFFFFF0, s17;
	s15 =	smov.u32 @p0 s19;
	s16 =	sadd.s32 s16, s22  }
0x7b: {  	s18 =	simm.s32 $0x40  }
0x7c: {  	v5 =	vld [tilespmem:s18+$0xFFFFFFC0]  }
0x7d: {  	v6 =	vld [tilespmem:s18+$0xFFFFFFD0];
	_ =	sdelay $0x3  }
0x7e: {  	vm0 =	vlt.s32 v5, $0x0;
	v7 =	vxor.u32 $0x7FFFFFFF, v5  }
0x7f: {  	v5 =	vsel vm0, v7, v5;
	vm0 =	vlt.s32 v6, $0x0;
	v7 =	vxor.u32 $0x7FFFFFFF, v6  }
0x80: {  	v14 =	vmov s15;
	v8 =	vshrl.u32 v5, $0x11;
	v6 =	vsel vm0, v7, v6  }
0x81: {  	v7 =	vxor.u32 v14, v8;
	v8 =	vshrl.u32 v6, $0x11  }
0x82: {  	vm3 =	veq.s32 v7, $0x4000;
	v7 =	vxor.u32 v14, v8  }
0x83: {  	v8 =	vsel vm3, $0x1, v1;
	vm2 =	veq.s32 v7, $0x4000  }
0x84: {  	(xrf0) =	vadd.scan.msk.s32 $0xffff, v8;
	v7 =	vsel vm2, $0x1, v1  }
0x85: {  	(xrf0) =	vadd.scan.msk.s32 $0xffff, v7;
	_ =	sdelay $0x1  }
0x86: {  	v8 =	vld [tilespmem:s18+$0xFFFFFFF0]  }
0x87: {  	v9 =	vld [tilespmem:s18+$0xFFFFFFE0];
	_ =	sdelay $0x1  }
0x88: {  	v11 =	vld [tilespmem:s18+$0x30];
	v15, _, _ =	vpop (xrf0)  }
0x89: {  	(v2sf) =	vpush v15, $0xF;
	v25, _, _ =	vpop (xrf0)  }
0x8a: {  	vm0 =	vlt.s32 v8, $0x0;
	v7 =	vxor.u32 $0x7FFFFFFF, v8;
	(v2sf) =	vpush v25, $0xF  }
0x8b: {  	v12 =	vld [tilespmem:s18+$0x0];
	v10 =	vxor.u32 $0x7FFFFFFF, v9;
	v7 =	vsel vm0, v7, v8;
	vm0 =	vlt.s32 v9, $0x0  }
0x8c: {  	v16 =	vld [tilespmem:s18+$0x10];
	v8 =	vshrl.u32 v7, $0x11;
	v10 =	vsel vm0, v10, v9  }
0x8d: {  	vm1 =	vlt.s32 v11, $0x0;
	v8 =	vxor.u32 v14, v8;
	v13 =	vshrl.u32 v10, $0x11  }
0x8e: {  	s17 =	simm.s32 $0xC0;
	v18 =	vld [tilespmem:s18+$0x20];
	v9 =	vxor.u32 $0x7FFFFFFF, v11;
	vm4 =	veq.s32 v8, $0x4000;
	v8 =	vxor.u32 v14, v13  }
0x8f: {  	v17 =	vld [tilespmem:s17+$0x30];
	v9 =	vsel vm1, v9, v11;
	v11 =	vsel vm4, $0x1, v1;
	vm0 =	veq.s32 v8, $0x4000  }
0x90: {  	vm5 =	vlt.s32 v12, $0x0;
	v13 =	vshrl.u32 v9, $0x11;
	(xrf0) =	vadd.scan.msk.s32 $0xffff, v11;
	v11 =	vsel vm0, $0x1, v1  }
0x91: {  	vm6 =	vlt.s32 v16, $0x0;
	v8 =	vxor.u32 v14, v13;
	v13 =	vxor.u32 $0x7FFFFFFF, v16;
	(xrf0) =	vadd.scan.msk.s32 $0xffff, v11  }
0x92: {  	vm1 =	veq.s32 v8, $0x4000;
	v8 =	vxor.u32 $0x7FFFFFFF, v12;
	v13 =	vsel vm6, v13, v16  }
0x93: {  	vm7 =	vlt.s32 v18, $0x0;
	v11 =	vsel vm5, v8, v12;
	v12 =	vshrl.u32 v13, $0x11  }
0x94: {  	vm5 =	vlt.s32 v17, $0x0;
	v8 =	vshrl.u32 v11, $0x11;
	v12 =	vxor.u32 v14, v12  }
0x95: {  	v20 =	vxor.u32 v14, v8;
	v8 =	vxor.u32 $0x7FFFFFFF, v17;
	vm6 =	veq.s32 v12, $0x4000  }
0x96: {  	v8 =	vsel vm5, v8, v17;
	vm5 =	veq.s32 v20, $0x4000;
	v17 =	vxor.u32 $0x7FFFFFFF, v18;
	v16, _, _ =	vpop (xrf0)  }
0x97: {  	v22 =	vld [tilespmem:s17+$0xFFFFFFD0];
	v20 =	vsel vm5, $0x1, v1;
	v12 =	vsel vm7, v17, v18;
	(v2sf) =	vpush v16, $0xF;
	v26, _, _ =	vpop (xrf0)  }
0x98: {  	v24 =	vld [tilespmem:s17+$0xFFFFFFE0];
	v19 =	vsel vm1, $0x1, v1;
	(xrf0) =	vadd.scan.msk.s32 $0xffff, v20;
	v20 =	vshrl.u32 v12, $0x11;
	(v2sf) =	vpush v26, $0xF;
	s30 =	spop (v2sf)  }
0x99: {  	s20 =	simm.s32 $0x0;
	v17 =	vshrl.u32 v8, $0x11;
	v18 =	vsel vm6, $0x1, v1;
	(xrf0) =	vadd.scan.msk.s32 $0xffff, v19;
	v19 =	vxor.u32 v14, v20;
	v20 =	vld [tilespmem:s17+$0xFFFFFFC0];
	s19 =	sadd.s32 $0x0, s30;
	s31 =	spop (v2sf)  }
0x9a: {  	v21 =	vmov s20;
	v17 =	vxor.u32 v14, v17;
	(xrf0) =	vadd.scan.msk.s32 $0xffff, v18;
	vm8 =	veq.s32 v19, $0x4000;
	s18 =	sadd.s32 s19, s31  }
0x9b: {  	vm7 =	veq.s32 v17, $0x4000;
	v17 =	vsel vm8, $0x1, v1;
	v18 =	vmov s18  }
0x9c: {  	v28 =	vadd.s32 $0xFFFFFFFF, v21;
	v29 =	vxor.u32 $0x7FFFFFFF, v22;
	v18 =	vadd.s32 $0xFFFFFFFF, v18  }
0x9d: {  	vm11 =	vlt.s32 v24, $0x0;
	vm3 =	vmmov vm3;
	vm2 =	vmmov vm2  }
0x9e: {  	vm1 =	vmmov vm1;
	(xrf0) =	vadd.scan.msk.s32 $0xffff, v17;
	v17, _, _ =	vpop (xrf0);
	vm9 =	vlt.s32 v20, $0x0;
	v23 =	vmov s19  }
0x9f: {  	v21 =	vadd.s32 $0xFFFFFFFF, v23;
	v23 =	vxor.u32 $0x7FFFFFFF, v20;
	v27 =	vbroadcast v18, $0x0;
	v18, _, _ =	vpop (xrf0)  }
0xa0: {  	v32 =	vbroadcast v21, $0x0;
	v21 =	vsel vm9, v23, v20;
	v20, _, _ =	vpop (xrf0);
	(v2sf) =	vpush v18, $0xF  }
0xa1: {  	vm9 =	vlt.s32 v22, $0x0;
	v23 =	vshrl.u32 v21, $0x11;
	(v2sf) =	vpush v20, $0xF  }
0xa2: {  	v30 =	vxor.u32 v14, v23;
	v23 =	vsel vm9, v29, v22;
	(v2sf) =	vpush v17, $0xF  }
0xa3: {  	v19 =	vsel vm7, $0x1, v1;
	vm9 =	veq.s32 v30, $0x4000;
	v29 =	vshrl.u32 v23, $0x11  }
0xa4: {  	v30 =	vxor.u32 $0x7FFFFFFF, v24;
	v31 =	vsel vm9, $0x1, v1;
	v29 =	vxor.u32 v14, v29;
	v22, _, _ =	vpop (xrf0)  }
0xa5: {  	v24 =	vsel vm11, v30, v24;
	vm10 =	veq.s32 v29, $0x4000;
	(xrf0) =	vadd.scan.msk.s32 $0xffff, v31;
	(v2sf) =	vpush v22, $0xF  }
0xa6: {  	v27 =	vadd.s32 v26, v27;
	v30 =	vld [tilespmem:s17+$0xFFFFFFF0];
	v29 =	vshrl.u32 v24, $0x11;
	v31 =	vsel vm10, $0x1, v1;
	s20 =	spop (v2sf)  }
0xa7: {  	s19 =	simm.s32 $0x8;
	v26 =	vld [tilespmem:s17+$0x0];
	v29 =	vxor.u32 v14, v29;
	(xrf0) =	vadd.scan.msk.s32 $0xffff, v31;
	v31 =	vbroadcast v28, $0x0;
	v28 =	vadd.s32 v25, v32;
	s21 =	spop (v2sf)  }
.LBB2_9:
0xa8: {  	s19 =	sadd.s32 $0x8, s19;
	vm14 =	vmmov vm4;
	vm15 =	vmmov vm6;
	vm13 =	vmmov vm1  }
0xa9: {  	vm1 =	vmmov vm7;
	vm12 =	vmmov vm5;
	p0 =	slt.u32 s19, $0x7F8;
	v31 =	vadd.s32 v15, v31  }
0xaa: {  	vm11 =	vmmov vm8  }
0xab: {  	vm4 =	vlt.s32 v30, $0x0;
	v33 =	vxor.u32 $0x7FFFFFFF, v30;
	v32 =	vld [tilespmem:s17+$0x10];
	v15, _, _ =	vpop (xrf0);
	[tilespmem:v27+s11+$0x0] =	vst.idx.msk vm0, v10;
	v10 =	vmov v24  }
0xac: {  	s18 =	sadd.s32 s18, s21;
	v24 =	vsel vm4, v33, v30;
	(v2sf) =	vpush v15, $0xF;
	[tilespmem:v28+s11+$0x0] =	vst.idx.msk vm2, v6;
	v6 =	vmovc v23;
	vm2 =	vmmov vm10  }
0xad: {  	v27 =	vmov s18;
	s18 =	sadd.s32 s18, s20;
	vm5 =	vlt.s32 v26, $0x0;
	v23 =	vshrl.u32 v24, $0x11;
	v25, _, _ =	vpop (xrf0)  }
0xae: {  	v28 =	vmov s18;
	v23 =	vxor.u32 v14, v23;
	(v2sf) =	vpush v25, $0xF;
	[tilespmem:v31+s11+$0x0] =	vst.idx.msk vm3, v5;
	v5 =	vmovc v21  }
0xaf: {  	vm0 =	veq.s32 v29, $0x4000;
	vm3 =	vmmov vm9;
	vm4 =	veq.s32 v23, $0x4000;
	s20 =	spop (v2sf)  }
0xb0: {  	v23 =	vxor.u32 $0x7FFFFFFF, v26;
	v21 =	vsel vm4, $0x1, v1;
	v29 =	vld [tilespmem:s17+$0x20];
	s17 =	sadd.s32 $0x80, s17;
	s21 =	spop (v2sf)  }
0xb1: {  	vm6 =	vlt.s32 v32, $0x0;
	v31 =	vxor.u32 $0x7FFFFFFF, v32;
	v30 =	vld [tilespmem:s17+$0x30];
	(xrf0) =	vadd.scan.msk.s32 $0xffff, v21;
	v21 =	vadd.s32 $0xFFFFFFFF, v28;
	s22 =	spop (v2sf)  }
0xb2: {  	v28 =	vsel vm0, $0x1, v1;
	v31 =	vsel vm6, v31, v32;
	v21 =	vbroadcast v21, $0x0  }
0xb3: {  	v27 =	vadd.s32 $0xFFFFFFFF, v27;
	v26 =	vsel vm5, v23, v26;
	v23 =	vshrl.u32 v31, $0x11;
	s18 =	sadd.s32 s18, s22;
	(xrf0) =	vadd.scan.msk.s32 $0xffff, v28  }
0xb4: {  	v27 =	vbroadcast v27, $0x0;
	v28 =	vshrl.u32 v26, $0x11;
	v32 =	vmov s18;
	s18 =	sadd.s32 s18, s21;
	s21 =	spop (v2sf)  }
0xb5: {  	v35 =	vxor.u32 v14, v23;
	v28 =	vxor.u32 v14, v28;
	v33 =	vmov s18;
	s18 =	sadd.s32 s18, s21  }
0xb6: {  	v32 =	vadd.s32 $0xFFFFFFFF, v32;
	vm5 =	vlt.s32 v30, $0x0;
	v34 =	vxor.u32 $0x7FFFFFFF, v30;
	s20 =	sadd.s32 s18, s20  }
0xb7: {  	vm6 =	veq.s32 v35, $0x4000;
	v32 =	vbroadcast v32, $0x0;
	v30 =	vsel vm5, v34, v30;
	v23, _, _ =	vpop (xrf0)  }
0xb8: {  	v35 =	vmov s18;
	v34 =	vshrl.u32 v30, $0x11;
	(v2sf) =	vpush v23, $0xF  }
0xb9: {  	vm8 =	vlt.s32 v29, $0x0;
	v33 =	vadd.s32 $0xFFFFFFFF, v33;
	v34 =	vxor.u32 v14, v34;
	v36, _, _ =	vpop (xrf0)  }
0xba: {  	vm5 =	veq.s32 v28, $0x4000;
	v28 =	vxor.u32 $0x7FFFFFFF, v29;
	vm7 =	veq.s32 v34, $0x4000  }
0xbb: {  	v37 =	vsel vm5, $0x1, v1;
	v28 =	vsel vm8, v28, v29;
	v34 =	vsel vm7, $0x1, v1;
	s18 =	spop (v2sf)  }
0xbc: {  	v29 =	vsel vm6, $0x1, v1;
	v38 =	vshrl.u32 v28, $0x11;
	(v2sf) =	vpush v36, $0xF;
	(xrf0) =	vadd.scan.msk.s32 $0xffff, v37  }
0xbd: {  	v33 =	vbroadcast v33, $0x0;
	v35 =	vadd.s32 $0xFFFFFFFF, v35;
	s21 =	sadd.s32 s20, s18;
	v37 =	vxor.u32 v14, v38;
	s18 =	spop (v2sf);
	(xrf0) =	vadd.scan.msk.s32 $0xffff, v19;
	v19 =	vmovc v34  }
0xbe: {  	v20 =	vadd.s32 v20, v32;
	vm8 =	veq.s32 v37, $0x4000;
	v34 =	vld [tilespmem:s17+$0xFFFFFFC0];
	s18 =	sadd.s32 s21, s18;
	(xrf0) =	vadd.scan.msk.s32 $0xffff, v29;
	v29 =	vbroadcast v35, $0x0  }
0xbf: {  	v27 =	vadd.s32 v16, v27;
	v33 =	vadd.s32 v22, v33;
	v16 =	vmovc v23;
	v35 =	vsel vm8, $0x1, v1;
	v32 =	vld [tilespmem:s17+$0xFFFFFFD0]  }
0xc0: {  	v22 =	vmov s18;
	(xrf0) =	vadd.scan.msk.s32 $0xffff, v35;
	v35 =	vadd.s32 v17, v21;
	v23 =	vadd.s32 v18, v29  }
0xc1: {  	v39 =	vmov s20;
	v40 =	vmov s21;
	v21 =	vadd.s32 $0xFFFFFFFF, v22;
	v29 =	vld [tilespmem:s17+$0xFFFFFFE0]  }
0xc2: {  	v37 =	vadd.s32 $0xFFFFFFFF, v39;
	v22 =	vadd.s32 $0xFFFFFFFF, v40;
	v38 =	vbroadcast v21, $0x0;
	v17, _, _ =	vpop (xrf0)  }
0xc3: {  	v39 =	vbroadcast v22, $0x0;
	vm9 =	vlt.s32 v34, $0x0;
	v21 =	vxor.u32 $0x7FFFFFFF, v34;
	v18, _, _ =	vpop (xrf0);
	[tilespmem:v20+s11+$0x0] =	vst.idx.msk vm15, v13  }
0xc4: {  	v21 =	vsel vm9, v21, v34;
	vm9 =	vlt.s32 v32, $0x0;
	v20, _, _ =	vpop (xrf0);
	(v2sf) =	vpush v18, $0xF;
	[tilespmem:v27+s11+$0x0] =	vst.idx.msk vm14, v7  }
0xc5: {  	v13 =	vmovc v31;
	v27 =	vxor.u32 $0x7FFFFFFF, v32;
	v7 =	vmovc v24;
	v34 =	vshrl.u32 v21, $0x11;
	(v2sf) =	vpush v20, $0xF;
	[tilespmem:v23+s11+$0x0] =	vst.idx.msk vm13, v9  }
0xc6: {  	v23 =	vsel vm9, v27, v32;
	v31 =	vxor.u32 v14, v34;
	(v2sf) =	vpush v17, $0xF;
	v22, _, _ =	vpop (xrf0);
	[tilespmem:v35+s11+$0x0] =	vst.idx.msk vm12, v11  }
.Ltmp3:
0xc7: {  	v9 =	vmovc v8;
	v24 =	vshrl.u32 v23, $0x11;
	v27 =	vxor.u32 $0x7FFFFFFF, v29;
	v11 =	vmovc v26;
	vm9 =	veq.s32 v31, $0x4000;
	s20 =	spop (v2sf);
	[tilespmem:v33+s11+$0x0] =	vst.idx.msk vm11, v12;
	(pc) =	sbr.rel @p0 .LBB2_9-.Ltmp3, $4  }
0xc8: {  	v8 =	vmovc v30;
	v24 =	vxor.u32 v14, v24;
	vm11 =	vlt.s32 v29, $0x0;
	v12 =	vmovc v28;
	v26 =	vsel vm9, $0x1, v1  }
0xc9: {  	vm10 =	veq.s32 v24, $0x4000;
	v24 =	vsel vm11, v27, v29;
	(xrf0) =	vadd.scan.msk.s32 $0xffff, v26;
	(v2sf) =	vpush v22, $0xF  }
0xca: {  	v27 =	vadd.s32 v36, v38;
	v28 =	vsel vm10, $0x1, v1;
	v26 =	vshrl.u32 v24, $0x11;
	v30 =	vld [tilespmem:s17+$0xFFFFFFF0]  }
0xcb: {  	v31 =	vbroadcast v37, $0x0;
	v29 =	vxor.u32 v14, v26;
	v26 =	vld [tilespmem:s17+$0x0];
	(xrf0) =	vadd.scan.msk.s32 $0xffff, v28;
	v28 =	vadd.s32 v25, v39;
	s21 =	spop (v2sf)  }
0xcc: {  	v32 =	vld [tilespmem:s17+$0x10]  }
0xcd: {  	vm13 =	veq.s32 v29, $0x4000;
	v55 =	vimm.s32 $0x0  }
0xce: {  	v60 =	vimm.s32 $0x0;
	v29 =	vsel vm13, $0xFFFFFFFF, v55  }
0xcf: {  	s18 =	sadd.s32 s18, s21;
	v59 =	vsel vm13, $0x1, v1;
	[tilespmem:$0x1FFF0] =	vst v29;
	vm11 =	vlt.s32 v30, $0x0;
	v25 =	vxor.u32 $0x7FFFFFFF, v30  }
0xd0: {  	v38 =	vmov s18;
	v33 =	vld [tilespmem:s17+$0x20];
	v25 =	vsel vm11, v25, v30;
	vm11 =	vlt.s32 v26, $0x0  }
0xd1: {  	v56 =	vxor.u32 $0x7FFFFFFF, v26;
	v30 =	vshrl.u32 v25, $0x11;
	vm12 =	vlt.s32 v32, $0x0  }
0xd2: {  	v34 =	vxor.u32 $0x7FFFFFFF, v32;
	v26 =	vsel vm11, v56, v26;
	v30 =	vxor.u32 v14, v30  }
0xd3: {  	v29 =	vsel vm12, v34, v32;
	v57 =	vshrl.u32 v26, $0x11;
	vm14 =	veq.s32 v30, $0x4000  }
0xd4: {  	v34 =	vshrl.u32 v29, $0x11;
	v30 =	vxor.u32 v14, v57;
	v58 =	vsel vm14, $0x1, v1  }
0xd5: {  	v34 =	vxor.u32 v14, v34;
	vm12 =	veq.s32 v30, $0x4000;
	vm11 =	vlt.s32 v33, $0x0;
	(xrf0) =	vadd.scan.msk.s32 $0xffff, v58  }
0xd6: {  	v61 =	vxor.u32 $0x7FFFFFFF, v33;
	v30 =	vsel vm12, $0xFFFFFFFF, v60;
	v62 =	vsel vm12, $0x1, v1;
	(xrf0) =	vadd.scan.msk.s32 $0xffff, v59  }
0xd7: {  	v35, _, _ =	vpop (xrf0);
	vm15 =	veq.s32 v34, $0x4000;
	[tilespmem:$0x1FFE0] =	vst v30;
	v30 =	vsel vm11, v61, v33;
	(xrf0) =	vadd.scan.msk.s32 $0xffff, v62  }
0xd8: {  	s20 =	sadd.s32 s18, s20;
	(v2sf) =	vpush v35, $0xF;
	v63, _, _ =	vpop (xrf0);
	v42 =	vsel vm15, $0x1, v1;
	v43 =	vshrl.u32 v30, $0x11;
	(xrf0) =	vadd.scan.msk.s32 $0xffff, v19  }
0xd9: {  	v39 =	vmov s20;
	v38 =	vadd.s32 $0xFFFFFFFF, v38;
	v44 =	vxor.u32 v14, v43;
	(xrf0) =	vadd.scan.msk.s32 $0xffff, v42  }
0xda: {  	v39 =	vadd.s32 $0xFFFFFFFF, v39;
	(v2sf) =	vpush v63, $0xF;
	s28 =	spop (v2sf);
	vm13 =	veq.s32 v44, $0x4000  }
0xdb: {  	v38 =	vbroadcast v38, $0x0;
	v39 =	vbroadcast v39, $0x0;
	s19 =	spop (v2sf);
	v46 =	vsel vm13, $0x1, v1;
	v45, _, _ =	vpop (xrf0)  }
0xdc: {  	vm6 =	vmmov vm6;
	v15 =	vadd.s32 v15, v31;
	s29 =	spop (v2sf);
	(xrf0) =	vadd.scan.msk.s32 $0xffff, v46;
	v47, _, _ =	vpop (xrf0)  }
0xdd: {  	v16 =	vadd.s32 v16, v38;
	v17 =	vadd.s32 v17, v39;
	s21 =	sadd.s32 s20, s29;
	(v2sf) =	vpush v45, $0xF;
	v48, _, _ =	vpop (xrf0)  }
0xde: {  	vm12 =	vmmov vm4;
	v50 =	vmov s21;
	(v2sf) =	vpush v47, $0xF;
	v49, _, _ =	vpop (xrf0)  }
0xdf: {  	vm4 =	vmmov vm5;
	s30 =	sadd.s32 s21, s19;
	s31 =	spop (v2sf);
	v31 =	vadd.s32 $0xFFFFFFFF, v50;
	v36, _, _ =	vpop (xrf0);
	(v2sf) =	vpush v49, $0xF  }
0xe0: {  	v40 =	vmov s30;
	s18 =	sadd.s32 s30, s31;
	v31 =	vbroadcast v31, $0x0;
	(v2sf) =	vpush v36, $0xF  }
0xe1: {  	v40 =	vadd.s32 $0xFFFFFFFF, v40;
	v51 =	vmov s18;
	(v2sf) =	vpush v48, $0xF  }
0xe2: {  	v40 =	vbroadcast v40, $0x0;
	v20 =	vadd.s32 v20, v31;
	v31 =	vadd.s32 $0xFFFFFFFF, v51;
	v37, _, _ =	vpop (xrf0)  }
0xe3: {  	vm5 =	vmmov vm8;
	[tilespmem:v27+s11+$0x0] =	vst.idx.msk vm0, v10;
	v31 =	vbroadcast v31, $0x0;
	(v2sf) =	vpush v37, $0xF  }
0xe4: {  	vm11 =	vmmov vm1;
	[tilespmem:v28+s11+$0x0] =	vst.idx.msk vm2, v6;
	v22 =	vadd.s32 v22, v40  }
0xe5: {  	[tilespmem:v15+s11+$0x0] =	vst.idx.msk vm3, v5;
	v18 =	vadd.s32 v18, v31  }
0xe6: {  	[tilespmem:v16+s11+$0x0] =	vst.idx.msk vm12, v7  }
0xe7: {  	s17 =	sadd.s32 s18, s28;
	[tilespmem:v17+s11+$0x0] =	vst.idx.msk vm4, v11;
	s21 =	spop (v2sf)  }
0xe8: {  	s23 =	sadd.s32 s17, s21;
	[tilespmem:v20+s11+$0x0] =	vst.idx.msk vm6, v13  }
0xe9: {  	s22 =	spop (v2sf);
	v53 =	vmov s23;
	[tilespmem:v22+s11+$0x0] =	vst.idx.msk vm5, v12  }
0xea: {  	vm8 =	vmmov vm10;
	vm1 =	vmmov vm7;
	s19 =	sadd.s32 s23, s22;
	v31 =	vadd.s32 $0xFFFFFFFF, v53;
	[tilespmem:v18+s11+$0x0] =	vst.idx.msk vm11, v9  }
0xeb: {  	v54 =	vmov s17;
	v52 =	vmov s19;
	v31 =	vbroadcast v31, $0x0;
	v12 =	vld [tilespmem:$0x1FFE0]  }
0xec: {  	vm3 =	vmmov vm15;
	v55 =	vadd.s32 $0xFFFFFFFF, v54;
	v38 =	vadd.s32 $0xFFFFFFFF, v52;
	s24 =	spop (v2sf)  }
0xed: {  	v6 =	vbroadcast v55, $0x0;
	v38 =	vbroadcast v38, $0x0;
	v56 =	vadd.s32 v63, v31;
	v63 =	vld [tilespmem:$0x1FFF0];
	s25 =	spop (v2sf)  }
0xee: {  	vm8 =	vmmov vm14;
	vm3 =	vmmov vm1;
	s19 =	sadd.s32 s19, s25;
	s26 =	spop (v2sf)  }
0xef: {  	v6 =	vadd.s32 v35, v6;
	v33 =	vadd.s32 v47, v38;
	v57 =	vmov s19;
	s18 =	sadd.s32 s19, s24;
	s28 =	spop (v2sf)  }
0xf0: {  	vm8 =	vnez.u8 v12;
	v58 =	vmov s18;
	v7 =	vadd.s32 $0xFFFFFFFF, v57;
	s29 =	spop (v2sf)  }
0xf1: {  	vm1 =	vmmov vm8;
	v60 =	vadd.s32 $0xFFFFFFFF, v58;
	v7 =	vbroadcast v7, $0x0;
	s19 =	sadd.s32 s18, s29  }
0xf2: {  	vm11 =	vnez.u8 v63;
	s30 =	spop (v2sf);
	v9 =	vbroadcast v60, $0x0;
	v5 =	vmov s19;
	s19 =	sadd.s32 s19, s28  }
0xf3: {  	v7 =	vadd.s32 v45, v7;
	s31 =	sadd.s32 s19, s30;
	v5 =	vadd.s32 $0xFFFFFFFF, v5;
	v62 =	vmov s19  }
0xf4: {  	v5 =	vbroadcast v5, $0x0;
	v59 =	vmov s31;
	v11 =	vadd.s32 $0xFFFFFFFF, v62  }
0xf5: {  	v9 =	vadd.s32 v48, v9;
	v61 =	vadd.s32 $0xFFFFFFFF, v59;
	v11 =	vbroadcast v11, $0x0  }
0xf6: {  	[tilespmem:v6+s11+$0x0] =	vst.idx.msk vm9, v21;
	v5 =	vadd.s32 v36, v5;
	v10 =	vbroadcast v61, $0x0  }
0xf7: {  	[tilespmem:v56+s11+$0x0] =	vst.idx.msk vm10, v23;
	v6 =	vadd.s32 v37, v11  }
0xf8: {  	[tilespmem:v33+s11+$0x0] =	vst.idx.msk vm11, v24;
	v10 =	vadd.s32 v49, v10  }
.Ltmp4:
0xf9: {  	[tilespmem:v7+s11+$0x0] =	vst.idx.msk vm14, v25;
	(pc) =	sbr.rel .LBB2_11-.Ltmp4, $4  }
0xfa: {  	s18 =	sadd.s32 s31, s26;
	[tilespmem:v9+s11+$0x0] =	vst.idx.msk vm1, v26  }
0xfb: {  	s17 =	sadd.s32 $0xF, s18;
	[tilespmem:v5+s11+$0x0] =	vst.idx.msk vm15, v29  }
0xfc: {  	s16 =	ssub.s32 $0x400, s16;
	s15 =	sshll.u32 s15, $0x11;
	s17 =	sshra.s32 s17, $0x4;
	[tilespmem:v6+s11+$0x0] =	vst.idx.msk vm13, v30  }
0xfd: {  	vm7 =	vmmov vm9;
	s20 =	simm.s32 $0x0;
	vm12 =	vmmov vm13;
	p0 =	slt.s32 s17, $0x1;
	v5 =	vmov s18;
	s18 =	simm.s32 $0x0;
	[tilespmem:v10+s11+$0x0] =	vst.idx.msk vm3, v8  }
.LBB2_12:
0xfe: {  	v6 =	vimm.s32 $0x0  }
.LBB2_16:
0xff: {  	(xrf0) =	vadd.scan.msk.s32 $0xffff, v6;
	_ =	sdelay $0x5  }
0x100: {  	v6, _, _ =	vpop (xrf0)  }
0x101: {  	(v2sf) =	vpush v6, $0xF;
	_ =	sdelay $0xe  }
0x102: {  	s21 =	spop (v2sf)  }
0x103: {  	s20 =	sadd.s32 $0x1, s20;
	p1 =	slt.s32 s21, s16  }
0x104: {  	s19 =	smov.u32 @p1 s18;
	p1 =	sne.s32 s20, $0x11  }
.Ltmp5:
0x105: {  	_ = 	snop;
	(pc) =	sbr.rel @!p1 .LBB2_17-.Ltmp5, $2  }
0x106: {  	_ =	sdelay $0x2  }
0x107: {  	s18 =	smov.u32 s19  }
.LBB2_11:
.Ltmp6:
0x108: {  	(pc) =	sbr.rel @p0 .LBB2_12-.Ltmp6, $3  }
0x109: {  	_ =	sdelay $0x1  }
0x10a: {  	s19 =	sshrl.u32 s11, s20  }
0x10b: {  	s19 =	sor.u32 s19, s18  }
0x10c: {  	s21 =	simm.s32 $0x10000  }
0x10d: {  	p1 =	sne.s32 s17, $0x1;
	v8 =	vld [tilespmem:s21+$0x0]  }
.Ltmp7:
0x10e: {  	_ = 	snop;
	(pc) =	sbr.rel @!p1 .LBB2_15-.Ltmp7, $4  }
0x10f: {  	s31 =	sor.u32 s15, s19  }
0x110: {  	s22 =	sxor.u32 $0x80000000, s31;
	s21 =	simm.s32 $0x0  }
0x111: {  	v7 =	vmov s22;
	v9 =	vor.u32 s21, v0  }
0x112: {  	v6 =	vimm.s32 $0x0;
	s23 =	simm.s32 $0x10010;
	s22 =	sadd.s32 $0xFFFFFFFF, s17;
	vm0 =	vlt.s32 v9, v5;
	vm1 =	vge.s32 v8, v7  }
.LBB2_14:
0x113: {  	v8 =	vld [tilespmem:s23+$0x0];
	p1 =	sne.s32 s22, $0x1;
	s22 =	sadd.s32 $0xFFFFFFFF, s22;
	vm0 =	vmand vm0, vm1  }
.Ltmp8:
0x114: {  	v9 =	vsel vm0, $0x1, v1;
	(pc) =	sbr.rel @p1 .LBB2_14-.Ltmp8, $4  }
0x115: {  	v6 =	vadd.s32 v9, v6  }
0x116: {  	s21 =	sadd.s32 $0x10, s21  }
0x117: {  	v9 =	vor.u32 s21, v0  }
0x118: {  	s23 =	sadd.s32 $0x10, s23;
	vm0 =	vlt.s32 v9, v5;
	vm1 =	vge.s32 v8, v7  }
.LBB2_15:
.Ltmp9:
0x119: {  	(pc) =	sbr.rel .LBB2_16-.Ltmp9, $4  }
0x11a: {  	_ = 	snop  }
0x11b: {  	vm0 =	vmand vm0, vm1  }
0x11c: {  	v7 =	vsel vm0, $0x1, v1  }
0x11d: {  	v6 =	vadd.s32 v7, v6  }
.LBB2_17:
0x11e: {  	s18 =	simm.s32 $0x40  }
0x11f: {  	v6 =	vld [tilespmem:s18+$0x30]  }
0x120: {  	v7 =	vld [tilespmem:s18+$0xFFFFFFD0]  }
0x121: {  	v8 =	vld [tilespmem:s18+$0xFFFFFFE0]  }
0x122: {  	v9 =	vld [tilespmem:s18+$0xFFFFFFF0]  }
0x123: {  	v10 =	vld [tilespmem:s18+$0x0]  }
0x124: {  	v11 =	vld [tilespmem:s18+$0x10]  }
0x125: {  	v13 =	vld [tilespmem:s18+$0xFFFFFFC0]  }
0x126: {  	s15 =	sor.u32 s15, s19;
	v42 =	vld [tilespmem:s18+$0x20]  }
0x127: {  	s15 =	sxor.u32 $0x80000000, s15  }
0x128: {  	v5 =	vmov s15;
	vm0 =	vlt.s32 v6, $0x0  }
0x129: {  	v12 =	vxor.u32 $0x7FFFFFFF, v6;
	vm1 =	vlt.s32 v7, $0x0;
	v14 =	vxor.u32 $0x7FFFFFFF, v7  }
0x12a: {  	v15 =	vxor.u32 $0x7FFFFFFF, v8;
	vm3 =	vlt.s32 v9, $0x0;
	v43 =	vxor.u32 $0x7FFFFFFF, v10  }
0x12b: {  	v44 =	vxor.u32 $0x7FFFFFFF, v13;
	v17 =	vxor.u32 $0x7FFFFFFF, v11;
	v46 =	vxor.u32 $0x7FFFFFFF, v42  }
0x12c: {  	s15 =	simm.s32 $0xC0;
	v6 =	vsel vm0, v12, v6;
	vm0 =	vlt.s32 v8, $0x0;
	v7 =	vsel vm1, v14, v7  }
0x12d: {  	v49 =	vld [tilespmem:s15+$0x30];
	vm1 =	vlt.s32 v10, $0x0;
	vm2 =	vlt.s32 v6, v5;
	v6 =	vxor.u32 $0x7FFFFFFF, v9  }
0x12e: {  	v55 =	vld [tilespmem:s15+$0x0];
	v8 =	vsel vm0, v15, v8;
	vm0 =	vlt.s32 v11, $0x0;
	v47 =	vsel vm1, v43, v10  }
0x12f: {  	v57 =	vld [tilespmem:s15+$0x10];
	v16 =	vsel vm2, $0x0, v4;
	vm2 =	vlt.s32 v13, $0x0;
	v6 =	vsel vm3, v6, v9  }
0x130: {  	s16 =	simm.s32 $0x8040;
	v60 =	vld [tilespmem:s15+$0xFFFFFFC0];
	v48 =	vsel vm0, v17, v11;
	vm0 =	vlt.s32 v7, v5;
	vm1 =	vlt.s32 v8, v5;
	[tilespmem:s18+$0x30] =	vst v16  }
0x131: {  	v45 =	vsel vm2, v44, v13;
	vm2 =	vlt.s32 v42, $0x0;
	v51 =	vsel vm1, $0x0, v4;
	[tilespmem:s16+$0x30] =	vst v1  }
0x132: {  	v52 =	vld [tilespmem:s15+$0xFFFFFFF0];
	v12 =	vsel vm2, v46, v42;
	vm2 =	vlt.s32 v6, v5;
	v6 =	vsel vm0, $0x0, v4;
	[tilespmem:s18+$0xFFFFFFE0] =	vst v51  }
0x133: {  	v58 =	vxor.u32 $0x7FFFFFFF, v49;
	v7 =	vld [tilespmem:s15+$0xFFFFFFD0];
	vm3 =	vlt.s32 v45, v5;
	[tilespmem:s18+$0xFFFFFFD0] =	vst v6  }
0x134: {  	v61 =	vxor.u32 $0x7FFFFFFF, v55;
	v62 =	vxor.u32 $0x7FFFFFFF, v57;
	v8 =	vld [tilespmem:s15+$0xFFFFFFE0];
	v50 =	vsel vm3, $0x0, v4;
	[tilespmem:s16+$0xFFFFFFE0] =	vst v1  }
0x135: {  	v63 =	vxor.u32 $0x7FFFFFFF, v60;
	vm0 =	vlt.s32 v48, v5;
	vm3 =	vlt.s32 v47, v5;
	[tilespmem:s18+$0xFFFFFFC0] =	vst v50  }
0x136: {  	v18 =	vld [tilespmem:s15+$0x20];
	vm4 =	vlt.s32 v12, v5;
	v6 =	vsel vm2, $0x0, v4;
	v54 =	vsel vm0, $0x0, v4;
	[tilespmem:s16+$0xFFFFFFD0] =	vst v1  }
0x137: {  	vm0 =	vlt.s32 v49, $0x0;
	v53 =	vsel vm3, $0x0, v4;
	v56 =	vsel vm4, $0x0, v4;
	[tilespmem:s18+$0xFFFFFFF0] =	vst v6  }
0x138: {  	v11 =	vsel vm0, v58, v49;
	vm3 =	vlt.s32 v52, $0x0;
	v6 =	vxor.u32 $0x7FFFFFFF, v52;
	[tilespmem:s18+$0x10] =	vst v54  }
0x139: {  	[tilespmem:s16+$0xFFFFFFC0] =	vst v1;
	vm1 =	vlt.s32 v7, $0x0;
	v59 =	vxor.u32 $0x7FFFFFFF, v7;
	vm0 =	vlt.s32 v8, $0x0  }
0x13a: {  	v19 =	vxor.u32 $0x7FFFFFFF, v8;
	vm2 =	vlt.s32 v11, v5;
	[tilespmem:s16+$0xFFFFFFF0] =	vst v1;
	v10 =	vsel vm3, v6, v52  }
0x13b: {  	v6 =	vxor.u32 $0x7FFFFFFF, v18;
	[tilespmem:s18+$0x0] =	vst v53;
	vm3 =	vlt.s32 v60, $0x0;
	v11 =	vsel vm2, $0x0, v4  }
0x13c: {  	[tilespmem:s16+$0x10] =	vst v1;
	v7 =	vsel vm1, v59, v7;
	vm1 =	vlt.s32 v55, $0x0;
	v8 =	vsel vm0, v19, v8  }
0x13d: {  	[tilespmem:s18+$0x20] =	vst v56;
	vm0 =	vlt.s32 v57, $0x0;
	vm2 =	vlt.s32 v18, $0x0;
	v12 =	vsel vm3, v63, v60  }
0x13e: {  	vm3 =	vlt.s32 v10, v5;
	[tilespmem:s15+$0x30] =	vst v11;
	v9 =	vsel vm1, v61, v55;
	v11 =	vsel vm0, v62, v57  }
0x13f: {  	s17 =	simm.s32 $0x80C0;
	[tilespmem:s16+$0x0] =	vst v1;
	v6 =	vsel vm2, v6, v18;
	vm5 =	vlt.s32 v12, v5;
	vm4 =	vlt.s32 v7, v5  }
0x140: {  	s19 =	simm.s32 $0x8;
	s20 =	simm.s32 $0x140;
	vm1 =	vlt.s32 v8, v5;
	[tilespmem:s17+$0x30] =	vst v1;
	vm2 =	vlt.s32 v9, v5;
	vm0 =	vlt.s32 v11, v5  }
.LBB2_18:
0x141: {  	v7 =	vld [tilespmem:s20+$0x30];
	v8 =	vsel vm5, $0x0, v4;
	v9 =	vsel vm4, $0x0, v4;
	vm4 =	vlt.s32 v6, v5;
	[tilespmem:s16+$0x20] =	vst v1;
	s16 =	smov.u32 s17  }
0x142: {  	s19 =	sadd.s32 $0x8, s19;
	v10 =	vsel vm3, $0x0, v4;
	v11 =	vsel vm2, $0x0, v4;
	v6 =	vld [tilespmem:s20+$0xFFFFFFD0];
	[tilespmem:s15+$0xFFFFFFC0] =	vst v8;
	v8 =	vsel vm1, $0x0, v4  }
0x143: {  	v13 =	vsel vm0, $0x0, v4;
	p0 =	slt.u32 s19, $0x7F8;
	v14 =	vsel vm4, $0x0, v4;
	v12 =	vld [tilespmem:s20+$0xFFFFFFE0];
	[tilespmem:s17+$0xFFFFFFC0] =	vst v1  }
0x144: {  	v15 =	vld [tilespmem:s20+$0xFFFFFFF0];
	[tilespmem:s15+$0xFFFFFFD0] =	vst v9  }
0x145: {  	v9 =	vld [tilespmem:s20+$0x0];
	[tilespmem:s17+$0xFFFFFFD0] =	vst v1  }
0x146: {  	v16 =	vld [tilespmem:s20+$0x10];
	vm0 =	vlt.s32 v7, $0x0;
	v17 =	vxor.u32 $0x7FFFFFFF, v7;
	[tilespmem:s15+$0xFFFFFFE0] =	vst v8  }
0x147: {  	vm1 =	vlt.s32 v6, $0x0;
	v8 =	vxor.u32 $0x7FFFFFFF, v6;
	v18 =	vld [tilespmem:s20+$0x20];
	v7 =	vsel vm0, v17, v7;
	[tilespmem:s17+$0xFFFFFFE0] =	vst v1  }
0x148: {  	v17 =	vld [tilespmem:s20+$0xFFFFFFC0];
	vm0 =	vlt.s32 v12, $0x0;
	v19 =	vxor.u32 $0x7FFFFFFF, v12;
	vm2 =	vlt.s32 v7, v5;
	[tilespmem:s15+$0xFFFFFFF0] =	vst v10  }
0x149: {  	vm3 =	vlt.s32 v15, $0x0;
	v7 =	vxor.u32 $0x7FFFFFFF, v15;
	v10 =	vsel vm2, $0x0, v4;
	[tilespmem:s17+$0xFFFFFFF0] =	vst v1  }
0x14a: {  	v8 =	vsel vm1, v8, v6;
	s17 =	sadd.s32 $0x80, s17;
	vm1 =	vlt.s32 v9, $0x0;
	v6 =	vxor.u32 $0x7FFFFFFF, v9;
	[tilespmem:s20+$0x30] =	vst v10  }
0x14b: {  	v10 =	vsel vm0, v19, v12;
	vm0 =	vlt.s32 v16, $0x0;
	v12 =	vxor.u32 $0x7FFFFFFF, v16;
	[tilespmem:s17+$0x30] =	vst v1  }
.Ltmp10:
0x14c: {  	v7 =	vsel vm3, v7, v15;
	vm2 =	vlt.s32 v18, $0x0;
	v15 =	vxor.u32 $0x7FFFFFFF, v18;
	[tilespmem:s15+$0x0] =	vst v11;
	(pc) =	sbr.rel @p0 .LBB2_18-.Ltmp10, $4  }
0x14d: {  	v9 =	vsel vm1, v6, v9;
	vm3 =	vlt.s32 v17, $0x0;
	v11 =	vxor.u32 $0x7FFFFFFF, v17;
	[tilespmem:s16+$0x0] =	vst v1  }
0x14e: {  	v12 =	vsel vm0, v12, v16;
	v6 =	vsel vm2, v15, v18;
	v11 =	vsel vm3, v11, v17;
	[tilespmem:s15+$0x10] =	vst v13  }
0x14f: {  	vm4 =	vlt.s32 v8, v5;
	vm1 =	vlt.s32 v10, v5;
	vm5 =	vlt.s32 v11, v5;
	[tilespmem:s16+$0x10] =	vst v1  }
0x150: {  	vm2 =	vlt.s32 v9, v5;
	vm0 =	vlt.s32 v12, v5;
	vm3 =	vlt.s32 v7, v5;
	[tilespmem:s15+$0x20] =	vst v14;
	s15 =	smov.u32 s20;
	s20 =	sadd.s32 $0x80, s20  }
0x151: {  	v7 =	vsel vm5, $0x0, v4;
	[tilespmem:s16+$0x20] =	vst v1  }
0x152: {  	[tilespmem:s15+$0xFFFFFFC0] =	vst v7  }
0x153: {  	vm15 =	vlt.s32 v6, v5;
	v7 =	vsel vm4, $0x0, v4;
	[tilespmem:s17+$0xFFFFFFC0] =	vst v1  }
0x154: {  	v5 =	vsel vm15, $0x0, v4;
	[tilespmem:s15+$0xFFFFFFD0] =	vst v7  }
0x155: {  	[tilespmem:s15+$0x20] =	vst v5  }
0x156: {  	v7 =	vsel vm1, $0x0, v4;
	[tilespmem:s17+$0xFFFFFFD0] =	vst v1  }
0x157: {  	[tilespmem:s15+$0xFFFFFFE0] =	vst v7  }
0x158: {  	[tilespmem:s17+$0x20] =	vst v1  }
0x159: {  	v7 =	vsel vm3, $0x0, v4;
	[tilespmem:s17+$0xFFFFFFE0] =	vst v1  }
0x15a: {  	[tilespmem:s15+$0xFFFFFFF0] =	vst v7  }
0x15b: {  	v7 =	vsel vm2, $0x0, v4;
	[tilespmem:s17+$0xFFFFFFF0] =	vst v1  }
0x15c: {  	[tilespmem:s15+$0x0] =	vst v7  }
0x15d: {  	s13 =	sadd.s32 $0x1, s13;
	v7 =	vsel vm0, $0x0, v4;
	[tilespmem:s17+$0x0] =	vst v1  }
0x15e: {  	p0 =	sne.s32 s13, $0x4;
	[tilespmem:s15+$0x10] =	vst v7  }
.Ltmp11:
0x15f: {  	s14 =	sadd.s32 s2, s14;
	[tilespmem:s17+$0x10] =	vst v1;
	(pc) =	sbr.rel @p0 .LBB2_4-.Ltmp11, $4  }
0x160: {  	[hbm4b:s14+s7] =	stream.strided.scatter [tilespmem:s4], [sflag:$0x1], $0x8000, s8, s7, $0x38;
	[tilespmem:$0x18000] =	vst v63  }
0x161: {  	_ =	swait.ge [sflag:s9], $0x8000  }
0x162: {  	[sflag:s9] =	ssyncset.done $0x0  }
0x163: {  	[sflag:s9] =	ssyncadd.s32 $0xFFFF8000  }
0x164: {  	s12 =	sadd.s32 $0x1, s12  }
0x165: {  	p0 =	sne.s32 s12, s6  }
.Ltmp12:
0x166: {  	_ = 	snop;
	(pc) =	sbr.rel @p0 .LBB2_1-.Ltmp12, $1  }
0x167: {  	_ =	sdelay $0x3  }
0x168: {  	_ =	sfence.sel $0x180000  }
0x169: {  	[bflag:$0x0] =	sbarrier.arrive $0xFFFF  }
0x16a: {  	p0 =	sne.s32 s3, $0x0;
	_ =	strace $0x90000047  }
0x16b: {  	s0 =	sadd.s32 @!p0 $0x100000, s0;
	[bflag:$0x2] =	sbarrier.arrive $0xFFFF  }
0x16c: {  	[sflag:s0] =	ssyncadd.tile.s32 @!p0 $0x1;
	_ =	shalt  }
.Lfunc_end2:
_tile_overlayer_lowered:
.L_overlay_start_2:
0x16d: {  	(tag) =	ssettag $0x2  }
0x16e: {  	s0 =	rddreg [dreg:$0x0];
	s2 =	stileid.u32  }
0x16f: {  	s1 =	rddreg [dreg:$0x1];
	p0 =	sne.s32 s2, $0x0  }
0x170: {  	s3 =	rddreg [dreg:$0x2];
	[bflag:$0x3] =	sbarrier.arrive $0xFFFF;
	s2 =	simm.s32 @!p0 $0x1C01  }
0x171: {  	[timem:s3], [sflag:s2] =	dma.local @!p0 [hbm:s0], s1  }
0x172: {  	s0 =	simm.s32 @!p0 $0x1  }
0x173: {  	_ =	swait.ge @!p0 [sflag:s0], s1  }
0x174: {  	s1 =	ssub.s32 @!p0 $0x0, s1;
	[sflag:s0] =	ssyncset.done @!p0 $0x0  }
0x175: {  	[sflag:s0] =	ssyncadd.s32 @!p0 s1  }
0x176: {  	[bflag:$0x3] =	sbarrier.arrive $0xFFFF  }
0x177: {  	_ =	shalt  }

</sc_bundles>
